<compile_context>
chip_gen: v7x
topology: tpu7x:2x2x1
jax: 0.10.2.dev20260603
libtpu: 0.0.44.dev20260713+nightly
codegen_flags: <defaults>
</compile_context>

<pallas_src>
import functools

import jax
import jax.numpy as jnp
from jax import lax
from jax.experimental import pallas as pl
from jax.experimental.pallas import tpu as pltpu
from jax.experimental.pallas import tpu_sc as plsc

D = 128
W = 2 * D + 1
WP = 264
S_DIM, B_DIM, H_DIM = 2048, 32, 1024
CH = 24
NCH = WP // CH
NBUF = 4
LOOKAHEAD = 3


def _predict_kernel(hid_ref, wp_ref, wpb_ref, vp_ref, vpb_ref,
                    p_ref, c_ref, idx_ref):
    h = hid_ref[...]
    wph = lax.dot_general(h, wp_ref[...], (((1,), (1,)), ((), ())),
                          preferred_element_type=jnp.float32)
    wph = jnp.tanh(wph + wpb_ref[...])
    vp8 = jnp.broadcast_to(vp_ref[...], (8, H_DIM))
    z = lax.dot_general(wph, vp8, (((1,), (1,)), ((), ())),
                        preferred_element_type=jnp.float32)[:, :1]
    p = S_DIM * jax.nn.sigmoid(z + vpb_ref[0, 0])
    c = lax.round(p, lax.RoundingMethod.TO_NEAREST_EVEN).astype(jnp.int32)
    p_ref[...] = p
    c_ref[...] = c
    j = lax.broadcasted_iota(jnp.int32, (B_DIM, WP), 1)
    b = lax.broadcasted_iota(jnp.int32, (B_DIM, WP), 0)
    s_abs = jnp.clip(c - D + j, 0, S_DIM - 1)
    idx_ref[...] = s_abs * B_DIM + b


NB_B = 4


def _attn_kernel(p_ref, c_ref, hid_ref, enc_ref, scaled_ref, ctx_ref):
    bpid = pl.program_id(0)
    for i in range(NB_B):
        e_rows = enc_ref[i]
        h = hid_ref[i]
        p = p_ref[bpid * NB_B + i, 0]
        c = c_ref[bpid * NB_B + i, 0]
        j = lax.broadcasted_iota(jnp.int32, (1, WP), 1)
        s_abs = c - D + j
        in_range = (s_abs >= 0) & (s_abs < S_DIM)
        in_win = j < W
        live = in_range & in_win
        scores = lax.dot_general(h, e_rows, (((1,), (1,)), ((), ())),
                                 preferred_element_type=jnp.float32)
        sc = jnp.where(live, scores, 0.0)
        m = jnp.max(jnp.where(in_win, sc, -jnp.inf))
        e = jnp.where(in_win, jnp.exp(sc - m), 0.0)
        attn = e / jnp.sum(e)
        wi = s_abs.astype(jnp.float32)
        gauss = jnp.exp((wi - p) ** 2 * (-1.0 / 8192.0))
        scaled = attn * gauss
        scaled_ref[i] = scaled
        masked = jnp.where(live, scaled, 0.0)
        ctx_ref[i] = lax.dot_general(masked, e_rows, (((1,), (0,)), ((), ())),
                                     preferred_element_type=jnp.float32)


def _make_sc_gather():
    mesh = plsc.VectorSubcoreMesh(core_axis_name="c", subcore_axis_name="s")
    info = plsc.get_sparse_core_info()
    nc = info.num_cores

    @functools.partial(
        pl.kernel, mesh=mesh,
        out_type=jax.ShapeDtypeStruct((B_DIM * WP, H_DIM), jnp.float32),
        scratch_types=(
            [pltpu.VMEM((WP,), jnp.int32)]
            + [pltpu.VMEM((CH, H_DIM), jnp.float32)] * NBUF
            + [pltpu.SemaphoreType.DMA] * (2 * NBUF)
        ),
    )
    def gather_k(idx_hbm, table_hbm, out_hbm, idx_v, *scr):
        bufs = list(scr[:NBUF])
        gsem = list(scr[NBUF:2 * NBUF])
        osem = list(scr[2 * NBUF:])
        wid = lax.axis_index("s") * nc + lax.axis_index("c")
        base = wid * WP
        pltpu.sync_copy(idx_hbm.at[pl.ds(base, WP)], idx_v)
        gat_h = [None] * NBUF
        out_h = [None] * NBUF
        for ci in range(NCH + LOOKAHEAD):
            if ci < NCH:
                k = ci % NBUF
                if out_h[k] is not None:
                    out_h[k].wait()
                gat_h[k] = pltpu.async_copy(
                    table_hbm.at[idx_v.at[pl.ds(ci * CH, CH)]], bufs[k], gsem[k])
            cj = ci - LOOKAHEAD
            if 0 <= cj < NCH:
                kj = cj % NBUF
                gat_h[kj].wait()
                out_h[kj] = pltpu.async_copy(
                    bufs[kj], out_hbm.at[pl.ds(base + cj * CH, CH)], osem[kj])
        for h in out_h:
            if h is not None:
                h.wait()

    return gather_k


def kernel(t, hidden, encoder_outputs, Wp_w, Wp_b, vp_w, vp_b):
    S, B, H = encoder_outputs.shape
    p2, c2, idx2 = pl.pallas_call(
        _predict_kernel,
        out_shape=(
            jax.ShapeDtypeStruct((B, 1), jnp.float32),
            jax.ShapeDtypeStruct((B, 1), jnp.int32),
            jax.ShapeDtypeStruct((B, WP), jnp.int32),
        ),
        in_specs=[
            pl.BlockSpec((B, H), lambda: (0, 0)),
            pl.BlockSpec((H, H), lambda: (0, 0)),
            pl.BlockSpec((1, H), lambda: (0, 0)),
            pl.BlockSpec((1, H), lambda: (0, 0)),
            pl.BlockSpec(memory_space=pltpu.SMEM),
        ],
        out_specs=(
            pl.BlockSpec((B, 1), lambda: (0, 0)),
            pl.BlockSpec((B, 1), lambda: (0, 0)),
            pl.BlockSpec((B, WP), lambda: (0, 0)),
        ),
    )(hidden, Wp_w, Wp_b.reshape(1, H), vp_w, vp_b.reshape(1, 1))

    table = encoder_outputs.reshape(S * B, H)
    enc_flat = _make_sc_gather()(idx2.reshape(B * WP), table)
    enc_local = enc_flat.reshape(B, WP, H)

    scaled_pad, ctx = pl.pallas_call(
        _attn_kernel,
        grid=(B // NB_B,),
        out_shape=(
            jax.ShapeDtypeStruct((B, 1, WP), jnp.float32),
            jax.ShapeDtypeStruct((B, 1, H), jnp.float32),
        ),
        in_specs=[
            pl.BlockSpec(memory_space=pltpu.SMEM),
            pl.BlockSpec(memory_space=pltpu.SMEM),
            pl.BlockSpec((NB_B, 1, H), lambda b: (b, 0, 0)),
            pl.BlockSpec((NB_B, WP, H), lambda b: (b, 0, 0)),
        ],
        out_specs=(
            pl.BlockSpec((NB_B, 1, WP), lambda b: (b, 0, 0)),
            pl.BlockSpec((NB_B, 1, H), lambda b: (b, 0, 0)),
        ),
        compiler_params=pltpu.CompilerParams(
            dimension_semantics=("parallel",)),
    )(p2, c2, hidden.reshape(B, 1, H), enc_local)

    return scaled_pad.reshape(B, WP)[:, :W], ctx.reshape(B, H)

# --- scband reference (transcript-rebuilt; emitter-appended) ---
"""Pipeline reference for scband-local-predictive-attention-73718818668970 (READ-ONLY COPY).

The authoritative reference and input builder live on the scoring server;
editing this copy changes nothing except your own understanding.
"""

import jax, jax.numpy as jnp
import numpy as np

D = 128

def setup_inputs(seed: int = 0) -> dict:
    key = jax.random.key(seed)
    ks = jax.random.split(key, 6)
    B, S, H = 32, 2048, 1024
    hidden = jax.random.normal(ks[0], (B, H), dtype=jnp.float32)
    encoder_outputs = jax.random.normal(ks[1], (S, B, H), dtype=jnp.float32)
    Wp_w = jax.random.normal(ks[2], (H, H), dtype=jnp.float32) * 0.02
    Wp_b = jnp.zeros((H,), dtype=jnp.float32)
    vp_w = jax.random.normal(ks[3], (1, H), dtype=jnp.float32) * 0.02
    vp_b = jnp.zeros((1,), dtype=jnp.float32)
    return {"t": 0, "hidden": hidden, "encoder_outputs": encoder_outputs,
            "Wp_w": Wp_w, "Wp_b": Wp_b, "vp_w": vp_w, "vp_b": vp_b}

def reference(t, hidden, encoder_outputs, Wp_w, Wp_b, vp_w, vp_b):
    S, B, H = encoder_outputs.shape
    W = 2 * D + 1
    # calculate_p
    Wph = jnp.tanh(hidden @ Wp_w.T + Wp_b)
    p = (S * jax.nn.sigmoid(Wph @ vp_w.T + vp_b)).squeeze(1)  # [B]
    # slice_windows: pad with D zeros at front, D+1 zeros at back
    enc_pad = jnp.concatenate([
        jnp.zeros((D, B, H), jnp.float32),
        encoder_outputs,
        jnp.zeros((D + 1, B, H), jnp.float32)], axis=0)
    centers = jnp.round(jax.lax.stop_gradient(p)).astype(jnp.int32)  # indices use detached p
    window = centers[None, :] + jnp.arange(W, dtype=jnp.int32)[:, None]  # [W, B]
    enc_local = enc_pad[window, jnp.arange(B, dtype=jnp.int32)[None, :]]  # [W, B, H]
    window_indices = (window - D).astype(jnp.float32)  # [W, B]
    # attn_weights with dot-product attn_score (assumed score fn): softmax over window dim
    scores = jnp.einsum('bh,wbh->bw', hidden, enc_local)
    attn = jax.nn.softmax(scores, axis=1)  # [B, W]
    # scale_weights: gaussian centered at p (p NOT detached here)
    stddev = D / 2.0
    numerator = (window_indices - p[None, :]) ** 2  # [W, B]
    gauss = jnp.exp(-(1.0 / (2.0 * stddev ** 2)) * numerator)
    scaled = attn * gauss.T  # [B, W]
    # attn_context: bmm(enc_local permuted [B,H,W], weights [B,W,1])
    context = jnp.einsum('bw,wbh->bh', scaled, enc_local)
    return (scaled, context)

if __name__ == "__main__":
    import jax
    _d = setup_inputs()
    print(jax.jit(kernel)(*tuple(_d.values())))

</pallas_src>

<mosaic_0001>
#map = affine_map<(d0, d1) -> (0)>
#map1 = affine_map<(d0, d1) -> (0, 0)>
module attributes {stable_mosaic.version = 14 : i64} {
  func.func @gather_k(%arg0: i32, %arg1: i32, %arg2: memref<8448xi32, #tpu.memory_space<hbm>>, %arg3: memref<65536x1024xf32, #tpu.memory_space<hbm>>, %arg4: memref<8448x1024xf32, #tpu.memory_space<hbm>>, %arg5: memref<264xi32, #tpu.memory_space<vmem>>, %arg6: memref<24x1024xf32, #tpu.memory_space<vmem>>, %arg7: memref<24x1024xf32, #tpu.memory_space<vmem>>, %arg8: memref<24x1024xf32, #tpu.memory_space<vmem>>, %arg9: memref<24x1024xf32, #tpu.memory_space<vmem>>, %arg10: memref<!tpu.dma_semaphore, #tpu.memory_space<semaphore_mem>>, %arg11: memref<!tpu.dma_semaphore, #tpu.memory_space<semaphore_mem>>, %arg12: memref<!tpu.dma_semaphore, #tpu.memory_space<semaphore_mem>>, %arg13: memref<!tpu.dma_semaphore, #tpu.memory_space<semaphore_mem>>, %arg14: memref<!tpu.dma_semaphore, #tpu.memory_space<semaphore_mem>>, %arg15: memref<!tpu.dma_semaphore, #tpu.memory_space<semaphore_mem>>, %arg16: memref<!tpu.dma_semaphore, #tpu.memory_space<semaphore_mem>>, %arg17: memref<!tpu.dma_semaphore, #tpu.memory_space<semaphore_mem>>) attributes {dimension_semantics = [#tpu.dimension_semantics<core_parallel>, #tpu.dimension_semantics<subcore_parallel>], iteration_bounds = array<i64: 2, 16>, scalar_prefetch = 0 : i64, scratch_operands = 13 : i64, tpu.core_type = #tpu.core_type<sc_vector_subcore>, window_params = [{transform_indices = #map}, {transform_indices = #map1}, {transform_indices = #map1}]} {
    %mul3A = arith.constant 2 : i32
    %mul3A_0 = arith.muli %arg1, %mul3A : i32
    %add3A = arith.addi %mul3A_0, %arg0 : i32
    %mul3A_1 = arith.constant 264 : i32
    %mul3A_2 = arith.muli %add3A, %mul3A_1 : i32
    "tpu.region"() ({
      %run_scoped3A = tpu.sem_alloc : memref<!tpu.dma_semaphore, #tpu.memory_space<semaphore_mem>>
      %dma_start3A_221 = tpu.memref_slice %arg2[%mul3A_2] : memref<8448xi32, #tpu.memory_space<hbm>> -> memref<264xi32, #tpu.memory_space<hbm>>
      %dma_start3A_222 = tpu.memref_slice %arg2[%mul3A_2] : memref<8448xi32, #tpu.memory_space<hbm>> -> memref<264xi32, #tpu.memory_space<hbm>>
      tpu.enqueue_dma source(%dma_start3A_222 : memref<264xi32, #tpu.memory_space<hbm>>) target(%arg5 : memref<264xi32, #tpu.memory_space<vmem>>) target_semaphore(%run_scoped3A : memref<!tpu.dma_semaphore, #tpu.memory_space<semaphore_mem>>)
      %dma_wait3A_223 = tpu.memref_slice %arg2[%mul3A_2] : memref<8448xi32, #tpu.memory_space<hbm>> -> memref<264xi32, #tpu.memory_space<hbm>>
      %dma_wait3A_224 = tpu.memref_slice %arg2[%mul3A_2] : memref<8448xi32, #tpu.memory_space<hbm>> -> memref<264xi32, #tpu.memory_space<hbm>>
      tpu.wait_dma2 semaphore(%run_scoped3A : memref<!tpu.dma_semaphore, #tpu.memory_space<semaphore_mem>>) src(%dma_wait3A_224 : memref<264xi32, #tpu.memory_space<hbm>>) dst(%arg5 : memref<264xi32, #tpu.memory_space<vmem>>)
      tpu.yield
    }) : () -> ()
    %dma_start3A = arith.constant 0 : i32
    %dma_start3A_3 = tpu.memref_slice %arg5[%dma_start3A] : memref<264xi32, #tpu.memory_space<vmem>> -> memref<24xi32, #tpu.memory_space<vmem>>
    %dma_start3A_4 = arith.constant 0 : i32
    %dma_start3A_5 = arith.constant 0 : i32
    %dma_start3A_6 = tpu.memref_slice %arg3[%dma_start3A_4, %dma_start3A_5] : memref<65536x1024xf32, #tpu.memory_space<hbm>> -> memref<65536x1024xf32, #tpu.memory_space<hbm>>
    tpu.enqueue_indirect_dma source(%dma_start3A_6 : memref<65536x1024xf32, #tpu.memory_space<hbm>>) target(%arg6 : memref<24x1024xf32, #tpu.memory_space<vmem>>) offsets(%dma_start3A_3 : memref<24xi32, #tpu.memory_space<vmem>>) semaphore(%arg10 : memref<!tpu.dma_semaphore, #tpu.memory_space<semaphore_mem>>)
    %dma_start3A_7 = arith.constant 24 : i32
    %dma_start3A_8 = tpu.memref_slice %arg5[%dma_start3A_7] : memref<264xi32, #tpu.memory_space<vmem>> -> memref<24xi32, #tpu.memory_space<vmem>>
    %dma_start3A_9 = arith.constant 0 : i32
    %dma_start3A_10 = arith.constant 0 : i32
    %dma_start3A_11 = tpu.memref_slice %arg3[%dma_start3A_9, %dma_start3A_10] : memref<65536x1024xf32, #tpu.memory_space<hbm>> -> memref<65536x1024xf32, #tpu.memory_space<hbm>>
    tpu.enqueue_indirect_dma source(%dma_start3A_11 : memref<65536x1024xf32, #tpu.memory_space<hbm>>) target(%arg7 : memref<24x1024xf32, #tpu.memory_space<vmem>>) offsets(%dma_start3A_8 : memref<24xi32, #tpu.memory_space<vmem>>) semaphore(%arg11 : memref<!tpu.dma_semaphore, #tpu.memory_space<semaphore_mem>>)
    %dma_start3A_12 = arith.constant 48 : i32
    %dma_start3A_13 = tpu.memref_slice %arg5[%dma_start3A_12] : memref<264xi32, #tpu.memory_space<vmem>> -> memref<24xi32, #tpu.memory_space<vmem>>
    %dma_start3A_14 = arith.constant 0 : i32
    %dma_start3A_15 = arith.constant 0 : i32
    %dma_start3A_16 = tpu.memref_slice %arg3[%dma_start3A_14, %dma_start3A_15] : memref<65536x1024xf32, #tpu.memory_space<hbm>> -> memref<65536x1024xf32, #tpu.memory_space<hbm>>
    tpu.enqueue_indirect_dma source(%dma_start3A_16 : memref<65536x1024xf32, #tpu.memory_space<hbm>>) target(%arg8 : memref<24x1024xf32, #tpu.memory_space<vmem>>) offsets(%dma_start3A_13 : memref<24xi32, #tpu.memory_space<vmem>>) semaphore(%arg12 : memref<!tpu.dma_semaphore, #tpu.memory_space<semaphore_mem>>)
    %dma_start3A_17 = arith.constant 72 : i32
    %dma_start3A_18 = tpu.memref_slice %arg5[%dma_start3A_17] : memref<264xi32, #tpu.memory_space<vmem>> -> memref<24xi32, #tpu.memory_space<vmem>>
    %dma_start3A_19 = arith.constant 0 : i32
    %dma_start3A_20 = arith.constant 0 : i32
    %dma_start3A_21 = tpu.memref_slice %arg3[%dma_start3A_19, %dma_start3A_20] : memref<65536x1024xf32, #tpu.memory_space<hbm>> -> memref<65536x1024xf32, #tpu.memory_space<hbm>>
    tpu.enqueue_indirect_dma source(%dma_start3A_21 : memref<65536x1024xf32, #tpu.memory_space<hbm>>) target(%arg9 : memref<24x1024xf32, #tpu.memory_space<vmem>>) offsets(%dma_start3A_18 : memref<24xi32, #tpu.memory_space<vmem>>) semaphore(%arg13 : memref<!tpu.dma_semaphore, #tpu.memory_space<semaphore_mem>>)
    %dma_wait3A = arith.constant 0 : i32
    %dma_wait3A_22 = tpu.memref_slice %arg5[%dma_wait3A] : memref<264xi32, #tpu.memory_space<vmem>> -> memref<24xi32, #tpu.memory_space<vmem>>
    %dma_wait3A_23 = arith.constant 0 : i32
    %dma_wait3A_24 = arith.constant 0 : i32
    %dma_wait3A_25 = tpu.memref_slice %arg3[%dma_wait3A_23, %dma_wait3A_24] : memref<65536x1024xf32, #tpu.memory_space<hbm>> -> memref<65536x1024xf32, #tpu.memory_space<hbm>>
    tpu.wait_indirect_dma semaphore(%arg10 : memref<!tpu.dma_semaphore, #tpu.memory_space<semaphore_mem>>) src(%dma_wait3A_25 : memref<65536x1024xf32, #tpu.memory_space<hbm>>) dst(%arg6 : memref<24x1024xf32, #tpu.memory_space<vmem>>)
    %add3A_26 = arith.constant 0 : i32
    %add3A_27 = arith.addi %mul3A_2, %add3A_26 : i32
    %dma_start3A_28 = arith.constant 0 : i32
    %dma_start3A_29 = tpu.memref_slice %arg4[%add3A_27, %dma_start3A_28] : memref<8448x1024xf32, #tpu.memory_space<hbm>> -> memref<24x1024xf32, #tpu.memory_space<hbm>>
    %dma_start3A_30 = arith.constant 0 : i32
    %dma_start3A_31 = tpu.memref_slice %arg4[%add3A_27, %dma_start3A_30] : memref<8448x1024xf32, #tpu.memory_space<hbm>> -> memref<24x1024xf32, #tpu.memory_space<hbm>>
    tpu.enqueue_dma source(%arg6 : memref<24x1024xf32, #tpu.memory_space<vmem>>) target(%dma_start3A_31 : memref<24x1024xf32, #tpu.memory_space<hbm>>) target_semaphore(%arg14 : memref<!tpu.dma_semaphore, #tpu.memory_space<semaphore_mem>>)
    %dma_wait3A_32 = arith.constant 0 : i32
    %dma_wait3A_33 = tpu.memref_slice %arg4[%add3A_27, %dma_wait3A_32] : memref<8448x1024xf32, #tpu.memory_space<hbm>> -> memref<24x1024xf32, #tpu.memory_space<hbm>>
    %dma_wait3A_34 = arith.constant 0 : i32
    %dma_wait3A_35 = tpu.memref_slice %arg4[%add3A_27, %dma_wait3A_34] : memref<8448x1024xf32, #tpu.memory_space<hbm>> -> memref<24x1024xf32, #tpu.memory_space<hbm>>
    tpu.wait_dma2 semaphore(%arg14 : memref<!tpu.dma_semaphore, #tpu.memory_space<semaphore_mem>>) src(%arg6 : memref<24x1024xf32, #tpu.memory_space<vmem>>) dst(%dma_wait3A_35 : memref<24x1024xf32, #tpu.memory_space<hbm>>)
    %dma_start3A_36 = arith.constant 96 : i32
    %dma_start3A_37 = tpu.memref_slice %arg5[%dma_start3A_36] : memref<264xi32, #tpu.memory_space<vmem>> -> memref<24xi32, #tpu.memory_space<vmem>>
    %dma_start3A_38 = arith.constant 0 : i32
    %dma_start3A_39 = arith.constant 0 : i32
    %dma_start3A_40 = tpu.memref_slice %arg3[%dma_start3A_38, %dma_start3A_39] : memref<65536x1024xf32, #tpu.memory_space<hbm>> -> memref<65536x1024xf32, #tpu.memory_space<hbm>>
    tpu.enqueue_indirect_dma source(%dma_start3A_40 : memref<65536x1024xf32, #tpu.memory_space<hbm>>) target(%arg6 : memref<24x1024xf32, #tpu.memory_space<vmem>>) offsets(%dma_start3A_37 : memref<24xi32, #tpu.memory_space<vmem>>) semaphore(%arg10 : memref<!tpu.dma_semaphore, #tpu.memory_space<semaphore_mem>>)
    %dma_wait3A_41 = arith.constant 24 : i32
    %dma_wait3A_42 = tpu.memref_slice %arg5[%dma_wait3A_41] : memref<264xi32, #tpu.memory_space<vmem>> -> memref<24xi32, #tpu.memory_space<vmem>>
    %dma_wait3A_43 = arith.constant 0 : i32
    %dma_wait3A_44 = arith.constant 0 : i32
    %dma_wait3A_45 = tpu.memref_slice %arg3[%dma_wait3A_43, %dma_wait3A_44] : memref<65536x1024xf32, #tpu.memory_space<hbm>> -> memref<65536x1024xf32, #tpu.memory_space<hbm>>
    tpu.wait_indirect_dma semaphore(%arg11 : memref<!tpu.dma_semaphore, #tpu.memory_space<semaphore_mem>>) src(%dma_wait3A_45 : memref<65536x1024xf32, #tpu.memory_space<hbm>>) dst(%arg7 : memref<24x1024xf32, #tpu.memory_space<vmem>>)
    %add3A_46 = arith.constant 24 : i32
    %add3A_47 = arith.addi %mul3A_2, %add3A_46 : i32
    %dma_start3A_48 = arith.constant 0 : i32
    %dma_start3A_49 = tpu.memref_slice %arg4[%add3A_47, %dma_start3A_48] : memref<8448x1024xf32, #tpu.memory_space<hbm>> -> memref<24x1024xf32, #tpu.memory_space<hbm>>
    %dma_start3A_50 = arith.constant 0 : i32
    %dma_start3A_51 = tpu.memref_slice %arg4[%add3A_47, %dma_start3A_50] : memref<8448x1024xf32, #tpu.memory_space<hbm>> -> memref<24x1024xf32, #tpu.memory_space<hbm>>
    tpu.enqueue_dma source(%arg7 : memref<24x1024xf32, #tpu.memory_space<vmem>>) target(%dma_start3A_51 : memref<24x1024xf32, #tpu.memory_space<hbm>>) target_semaphore(%arg15 : memref<!tpu.dma_semaphore, #tpu.memory_space<semaphore_mem>>)
    %dma_wait3A_52 = arith.constant 0 : i32
    %dma_wait3A_53 = tpu.memref_slice %arg4[%add3A_47, %dma_wait3A_52] : memref<8448x1024xf32, #tpu.memory_space<hbm>> -> memref<24x1024xf32, #tpu.memory_space<hbm>>
    %dma_wait3A_54 = arith.constant 0 : i32
    %dma_wait3A_55 = tpu.memref_slice %arg4[%add3A_47, %dma_wait3A_54] : memref<8448x1024xf32, #tpu.memory_space<hbm>> -> memref<24x1024xf32, #tpu.memory_space<hbm>>
    tpu.wait_dma2 semaphore(%arg15 : memref<!tpu.dma_semaphore, #tpu.memory_space<semaphore_mem>>) src(%arg7 : memref<24x1024xf32, #tpu.memory_space<vmem>>) dst(%dma_wait3A_55 : memref<24x1024xf32, #tpu.memory_space<hbm>>)
    %dma_start3A_56 = arith.constant 120 : i32
    %dma_start3A_57 = tpu.memref_slice %arg5[%dma_start3A_56] : memref<264xi32, #tpu.memory_space<vmem>> -> memref<24xi32, #tpu.memory_space<vmem>>
    %dma_start3A_58 = arith.constant 0 : i32
    %dma_start3A_59 = arith.constant 0 : i32
    %dma_start3A_60 = tpu.memref_slice %arg3[%dma_start3A_58, %dma_start3A_59] : memref<65536x1024xf32, #tpu.memory_space<hbm>> -> memref<65536x1024xf32, #tpu.memory_space<hbm>>
    tpu.enqueue_indirect_dma source(%dma_start3A_60 : memref<65536x1024xf32, #tpu.memory_space<hbm>>) target(%arg7 : memref<24x1024xf32, #tpu.memory_space<vmem>>) offsets(%dma_start3A_57 : memref<24xi32, #tpu.memory_space<vmem>>) semaphore(%arg11 : memref<!tpu.dma_semaphore, #tpu.memory_space<semaphore_mem>>)
    %dma_wait3A_61 = arith.constant 48 : i32
    %dma_wait3A_62 = tpu.memref_slice %arg5[%dma_wait3A_61] : memref<264xi32, #tpu.memory_space<vmem>> -> memref<24xi32, #tpu.memory_space<vmem>>
    %dma_wait3A_63 = arith.constant 0 : i32
    %dma_wait3A_64 = arith.constant 0 : i32
    %dma_wait3A_65 = tpu.memref_slice %arg3[%dma_wait3A_63, %dma_wait3A_64] : memref<65536x1024xf32, #tpu.memory_space<hbm>> -> memref<65536x1024xf32, #tpu.memory_space<hbm>>
    tpu.wait_indirect_dma semaphore(%arg12 : memref<!tpu.dma_semaphore, #tpu.memory_space<semaphore_mem>>) src(%dma_wait3A_65 : memref<65536x1024xf32, #tpu.memory_space<hbm>>) dst(%arg8 : memref<24x1024xf32, #tpu.memory_space<vmem>>)
    %add3A_66 = arith.constant 48 : i32
    %add3A_67 = arith.addi %mul3A_2, %add3A_66 : i32
    %dma_start3A_68 = arith.constant 0 : i32
    %dma_start3A_69 = tpu.memref_slice %arg4[%add3A_67, %dma_start3A_68] : memref<8448x1024xf32, #tpu.memory_space<hbm>> -> memref<24x1024xf32, #tpu.memory_space<hbm>>
    %dma_start3A_70 = arith.constant 0 : i32
    %dma_start3A_71 = tpu.memref_slice %arg4[%add3A_67, %dma_start3A_70] : memref<8448x1024xf32, #tpu.memory_space<hbm>> -> memref<24x1024xf32, #tpu.memory_space<hbm>>
    tpu.enqueue_dma source(%arg8 : memref<24x1024xf32, #tpu.memory_space<vmem>>) target(%dma_start3A_71 : memref<24x1024xf32, #tpu.memory_space<hbm>>) target_semaphore(%arg16 : memref<!tpu.dma_semaphore, #tpu.memory_space<semaphore_mem>>)
    %dma_wait3A_72 = arith.constant 0 : i32
    %dma_wait3A_73 = tpu.memref_slice %arg4[%add3A_67, %dma_wait3A_72] : memref<8448x1024xf32, #tpu.memory_space<hbm>> -> memref<24x1024xf32, #tpu.memory_space<hbm>>
    %dma_wait3A_74 = arith.constant 0 : i32
    %dma_wait3A_75 = tpu.memref_slice %arg4[%add3A_67, %dma_wait3A_74] : memref<8448x1024xf32, #tpu.memory_space<hbm>> -> memref<24x1024xf32, #tpu.memory_space<hbm>>
    tpu.wait_dma2 semaphore(%arg16 : memref<!tpu.dma_semaphore, #tpu.memory_space<semaphore_mem>>) src(%arg8 : memref<24x1024xf32, #tpu.memory_space<vmem>>) dst(%dma_wait3A_75 : memref<24x1024xf32, #tpu.memory_space<hbm>>)
    %dma_start3A_76 = arith.constant 144 : i32
    %dma_start3A_77 = tpu.memref_slice %arg5[%dma_start3A_76] : memref<264xi32, #tpu.memory_space<vmem>> -> memref<24xi32, #tpu.memory_space<vmem>>
    %dma_start3A_78 = arith.constant 0 : i32
    %dma_start3A_79 = arith.constant 0 : i32
    %dma_start3A_80 = tpu.memref_slice %arg3[%dma_start3A_78, %dma_start3A_79] : memref<65536x1024xf32, #tpu.memory_space<hbm>> -> memref<65536x1024xf32, #tpu.memory_space<hbm>>
    tpu.enqueue_indirect_dma source(%dma_start3A_80 : memref<65536x1024xf32, #tpu.memory_space<hbm>>) target(%arg8 : memref<24x1024xf32, #tpu.memory_space<vmem>>) offsets(%dma_start3A_77 : memref<24xi32, #tpu.memory_space<vmem>>) semaphore(%arg12 : memref<!tpu.dma_semaphore, #tpu.memory_space<semaphore_mem>>)
    %dma_wait3A_81 = arith.constant 72 : i32
    %dma_wait3A_82 = tpu.memref_slice %arg5[%dma_wait3A_81] : memref<264xi32, #tpu.memory_space<vmem>> -> memref<24xi32, #tpu.memory_space<vmem>>
    %dma_wait3A_83 = arith.constant 0 : i32
    %dma_wait3A_84 = arith.constant 0 : i32
    %dma_wait3A_85 = tpu.memref_slice %arg3[%dma_wait3A_83, %dma_wait3A_84] : memref<65536x1024xf32, #tpu.memory_space<hbm>> -> memref<65536x1024xf32, #tpu.memory_space<hbm>>
    tpu.wait_indirect_dma semaphore(%arg13 : memref<!tpu.dma_semaphore, #tpu.memory_space<semaphore_mem>>) src(%dma_wait3A_85 : memref<65536x1024xf32, #tpu.memory_space<hbm>>) dst(%arg9 : memref<24x1024xf32, #tpu.memory_space<vmem>>)
    %add3A_86 = arith.constant 72 : i32
    %add3A_87 = arith.addi %mul3A_2, %add3A_86 : i32
    %dma_start3A_88 = arith.constant 0 : i32
    %dma_start3A_89 = tpu.memref_slice %arg4[%add3A_87, %dma_start3A_88] : memref<8448x1024xf32, #tpu.memory_space<hbm>> -> memref<24x1024xf32, #tpu.memory_space<hbm>>
    %dma_start3A_90 = arith.constant 0 : i32
    %dma_start3A_91 = tpu.memref_slice %arg4[%add3A_87, %dma_start3A_90] : memref<8448x1024xf32, #tpu.memory_space<hbm>> -> memref<24x1024xf32, #tpu.memory_space<hbm>>
    tpu.enqueue_dma source(%arg9 : memref<24x1024xf32, #tpu.memory_space<vmem>>) target(%dma_start3A_91 : memref<24x1024xf32, #tpu.memory_space<hbm>>) target_semaphore(%arg17 : memref<!tpu.dma_semaphore, #tpu.memory_space<semaphore_mem>>)
    %dma_wait3A_92 = arith.constant 0 : i32
    %dma_wait3A_93 = tpu.memref_slice %arg4[%add3A_87, %dma_wait3A_92] : memref<8448x1024xf32, #tpu.memory_space<hbm>> -> memref<24x1024xf32, #tpu.memory_space<hbm>>
    %dma_wait3A_94 = arith.constant 0 : i32
    %dma_wait3A_95 = tpu.memref_slice %arg4[%add3A_87, %dma_wait3A_94] : memref<8448x1024xf32, #tpu.memory_space<hbm>> -> memref<24x1024xf32, #tpu.memory_space<hbm>>
    tpu.wait_dma2 semaphore(%arg17 : memref<!tpu.dma_semaphore, #tpu.memory_space<semaphore_mem>>) src(%arg9 : memref<24x1024xf32, #tpu.memory_space<vmem>>) dst(%dma_wait3A_95 : memref<24x1024xf32, #tpu.memory_space<hbm>>)
    %dma_start3A_96 = arith.constant 168 : i32
    %dma_start3A_97 = tpu.memref_slice %arg5[%dma_start3A_96] : memref<264xi32, #tpu.memory_space<vmem>> -> memref<24xi32, #tpu.memory_space<vmem>>
    %dma_start3A_98 = arith.constant 0 : i32
    %dma_start3A_99 = arith.constant 0 : i32
    %dma_start3A_100 = tpu.memref_slice %arg3[%dma_start3A_98, %dma_start3A_99] : memref<65536x1024xf32, #tpu.memory_space<hbm>> -> memref<65536x1024xf32, #tpu.memory_space<hbm>>
    tpu.enqueue_indirect_dma source(%dma_start3A_100 : memref<65536x1024xf32, #tpu.memory_space<hbm>>) target(%arg9 : memref<24x1024xf32, #tpu.memory_space<vmem>>) offsets(%dma_start3A_97 : memref<24xi32, #tpu.memory_space<vmem>>) semaphore(%arg13 : memref<!tpu.dma_semaphore, #tpu.memory_space<semaphore_mem>>)
    %dma_wait3A_101 = arith.constant 96 : i32
    %dma_wait3A_102 = tpu.memref_slice %arg5[%dma_wait3A_101] : memref<264xi32, #tpu.memory_space<vmem>> -> memref<24xi32, #tpu.memory_space<vmem>>
    %dma_wait3A_103 = arith.constant 0 : i32
    %dma_wait3A_104 = arith.constant 0 : i32
    %dma_wait3A_105 = tpu.memref_slice %arg3[%dma_wait3A_103, %dma_wait3A_104] : memref<65536x1024xf32, #tpu.memory_space<hbm>> -> memref<65536x1024xf32, #tpu.memory_space<hbm>>
    tpu.wait_indirect_dma semaphore(%arg10 : memref<!tpu.dma_semaphore, #tpu.memory_space<semaphore_mem>>) src(%dma_wait3A_105 : memref<65536x1024xf32, #tpu.memory_space<hbm>>) dst(%arg6 : memref<24x1024xf32, #tpu.memory_space<vmem>>)
    %add3A_106 = arith.constant 96 : i32
    %add3A_107 = arith.addi %mul3A_2, %add3A_106 : i32
    %dma_start3A_108 = arith.constant 0 : i32
    %dma_start3A_109 = tpu.memref_slice %arg4[%add3A_107, %dma_start3A_108] : memref<8448x1024xf32, #tpu.memory_space<hbm>> -> memref<24x1024xf32, #tpu.memory_space<hbm>>
    %dma_start3A_110 = arith.constant 0 : i32
    %dma_start3A_111 = tpu.memref_slice %arg4[%add3A_107, %dma_start3A_110] : memref<8448x1024xf32, #tpu.memory_space<hbm>> -> memref<24x1024xf32, #tpu.memory_space<hbm>>
    tpu.enqueue_dma source(%arg6 : memref<24x1024xf32, #tpu.memory_space<vmem>>) target(%dma_start3A_111 : memref<24x1024xf32, #tpu.memory_space<hbm>>) target_semaphore(%arg14 : memref<!tpu.dma_semaphore, #tpu.memory_space<semaphore_mem>>)
    %dma_wait3A_112 = arith.constant 0 : i32
    %dma_wait3A_113 = tpu.memref_slice %arg4[%add3A_107, %dma_wait3A_112] : memref<8448x1024xf32, #tpu.memory_space<hbm>> -> memref<24x1024xf32, #tpu.memory_space<hbm>>
    %dma_wait3A_114 = arith.constant 0 : i32
    %dma_wait3A_115 = tpu.memref_slice %arg4[%add3A_107, %dma_wait3A_114] : memref<8448x1024xf32, #tpu.memory_space<hbm>> -> memref<24x1024xf32, #tpu.memory_space<hbm>>
    tpu.wait_dma2 semaphore(%arg14 : memref<!tpu.dma_semaphore, #tpu.memory_space<semaphore_mem>>) src(%arg6 : memref<24x1024xf32, #tpu.memory_space<vmem>>) dst(%dma_wait3A_115 : memref<24x1024xf32, #tpu.memory_space<hbm>>)
    %dma_start3A_116 = arith.constant 192 : i32
    %dma_start3A_117 = tpu.memref_slice %arg5[%dma_start3A_116] : memref<264xi32, #tpu.memory_space<vmem>> -> memref<24xi32, #tpu.memory_space<vmem>>
    %dma_start3A_118 = arith.constant 0 : i32
    %dma_start3A_119 = arith.constant 0 : i32
    %dma_start3A_120 = tpu.memref_slice %arg3[%dma_start3A_118, %dma_start3A_119] : memref<65536x1024xf32, #tpu.memory_space<hbm>> -> memref<65536x1024xf32, #tpu.memory_space<hbm>>
    tpu.enqueue_indirect_dma source(%dma_start3A_120 : memref<65536x1024xf32, #tpu.memory_space<hbm>>) target(%arg6 : memref<24x1024xf32, #tpu.memory_space<vmem>>) offsets(%dma_start3A_117 : memref<24xi32, #tpu.memory_space<vmem>>) semaphore(%arg10 : memref<!tpu.dma_semaphore, #tpu.memory_space<semaphore_mem>>)
    %dma_wait3A_121 = arith.constant 120 : i32
    %dma_wait3A_122 = tpu.memref_slice %arg5[%dma_wait3A_121] : memref<264xi32, #tpu.memory_space<vmem>> -> memref<24xi32, #tpu.memory_space<vmem>>
    %dma_wait3A_123 = arith.constant 0 : i32
    %dma_wait3A_124 = arith.constant 0 : i32
    %dma_wait3A_125 = tpu.memref_slice %arg3[%dma_wait3A_123, %dma_wait3A_124] : memref<65536x1024xf32, #tpu.memory_space<hbm>> -> memref<65536x1024xf32, #tpu.memory_space<hbm>>
    tpu.wait_indirect_dma semaphore(%arg11 : memref<!tpu.dma_semaphore, #tpu.memory_space<semaphore_mem>>) src(%dma_wait3A_125 : memref<65536x1024xf32, #tpu.memory_space<hbm>>) dst(%arg7 : memref<24x1024xf32, #tpu.memory_space<vmem>>)
    %add3A_126 = arith.constant 120 : i32
    %add3A_127 = arith.addi %mul3A_2, %add3A_126 : i32
    %dma_start3A_128 = arith.constant 0 : i32
    %dma_start3A_129 = tpu.memref_slice %arg4[%add3A_127, %dma_start3A_128] : memref<8448x1024xf32, #tpu.memory_space<hbm>> -> memref<24x1024xf32, #tpu.memory_space<hbm>>
    %dma_start3A_130 = arith.constant 0 : i32
    %dma_start3A_131 = tpu.memref_slice %arg4[%add3A_127, %dma_start3A_130] : memref<8448x1024xf32, #tpu.memory_space<hbm>> -> memref<24x1024xf32, #tpu.memory_space<hbm>>
    tpu.enqueue_dma source(%arg7 : memref<24x1024xf32, #tpu.memory_space<vmem>>) target(%dma_start3A_131 : memref<24x1024xf32, #tpu.memory_space<hbm>>) target_semaphore(%arg15 : memref<!tpu.dma_semaphore, #tpu.memory_space<semaphore_mem>>)
    %dma_wait3A_132 = arith.constant 0 : i32
    %dma_wait3A_133 = tpu.memref_slice %arg4[%add3A_127, %dma_wait3A_132] : memref<8448x1024xf32, #tpu.memory_space<hbm>> -> memref<24x1024xf32, #tpu.memory_space<hbm>>
    %dma_wait3A_134 = arith.constant 0 : i32
    %dma_wait3A_135 = tpu.memref_slice %arg4[%add3A_127, %dma_wait3A_134] : memref<8448x1024xf32, #tpu.memory_space<hbm>> -> memref<24x1024xf32, #tpu.memory_space<hbm>>
    tpu.wait_dma2 semaphore(%arg15 : memref<!tpu.dma_semaphore, #tpu.memory_space<semaphore_mem>>) src(%arg7 : memref<24x1024xf32, #tpu.memory_space<vmem>>) dst(%dma_wait3A_135 : memref<24x1024xf32, #tpu.memory_space<hbm>>)
    %dma_start3A_136 = arith.constant 216 : i32
    %dma_start3A_137 = tpu.memref_slice %arg5[%dma_start3A_136] : memref<264xi32, #tpu.memory_space<vmem>> -> memref<24xi32, #tpu.memory_space<vmem>>
    %dma_start3A_138 = arith.constant 0 : i32
    %dma_start3A_139 = arith.constant 0 : i32
    %dma_start3A_140 = tpu.memref_slice %arg3[%dma_start3A_138, %dma_start3A_139] : memref<65536x1024xf32, #tpu.memory_space<hbm>> -> memref<65536x1024xf32, #tpu.memory_space<hbm>>
    tpu.enqueue_indirect_dma source(%dma_start3A_140 : memref<65536x1024xf32, #tpu.memory_space<hbm>>) target(%arg7 : memref<24x1024xf32, #tpu.memory_space<vmem>>) offsets(%dma_start3A_137 : memref<24xi32, #tpu.memory_space<vmem>>) semaphore(%arg11 : memref<!tpu.dma_semaphore, #tpu.memory_space<semaphore_mem>>)
    %dma_wait3A_141 = arith.constant 144 : i32
    %dma_wait3A_142 = tpu.memref_slice %arg5[%dma_wait3A_141] : memref<264xi32, #tpu.memory_space<vmem>> -> memref<24xi32, #tpu.memory_space<vmem>>
    %dma_wait3A_143 = arith.constant 0 : i32
    %dma_wait3A_144 = arith.constant 0 : i32
    %dma_wait3A_145 = tpu.memref_slice %arg3[%dma_wait3A_143, %dma_wait3A_144] : memref<65536x1024xf32, #tpu.memory_space<hbm>> -> memref<65536x1024xf32, #tpu.memory_space<hbm>>
    tpu.wait_indirect_dma semaphore(%arg12 : memref<!tpu.dma_semaphore, #tpu.memory_space<semaphore_mem>>) src(%dma_wait3A_145 : memref<65536x1024xf32, #tpu.memory_space<hbm>>) dst(%arg8 : memref<24x1024xf32, #tpu.memory_space<vmem>>)
    %add3A_146 = arith.constant 144 : i32
    %add3A_147 = arith.addi %mul3A_2, %add3A_146 : i32
    %dma_start3A_148 = arith.constant 0 : i32
    %dma_start3A_149 = tpu.memref_slice %arg4[%add3A_147, %dma_start3A_148] : memref<8448x1024xf32, #tpu.memory_space<hbm>> -> memref<24x1024xf32, #tpu.memory_space<hbm>>
    %dma_start3A_150 = arith.constant 0 : i32
    %dma_start3A_151 = tpu.memref_slice %arg4[%add3A_147, %dma_start3A_150] : memref<8448x1024xf32, #tpu.memory_space<hbm>> -> memref<24x1024xf32, #tpu.memory_space<hbm>>
    tpu.enqueue_dma source(%arg8 : memref<24x1024xf32, #tpu.memory_space<vmem>>) target(%dma_start3A_151 : memref<24x1024xf32, #tpu.memory_space<hbm>>) target_semaphore(%arg16 : memref<!tpu.dma_semaphore, #tpu.memory_space<semaphore_mem>>)
    %dma_wait3A_152 = arith.constant 0 : i32
    %dma_wait3A_153 = tpu.memref_slice %arg4[%add3A_147, %dma_wait3A_152] : memref<8448x1024xf32, #tpu.memory_space<hbm>> -> memref<24x1024xf32, #tpu.memory_space<hbm>>
    %dma_wait3A_154 = arith.constant 0 : i32
    %dma_wait3A_155 = tpu.memref_slice %arg4[%add3A_147, %dma_wait3A_154] : memref<8448x1024xf32, #tpu.memory_space<hbm>> -> memref<24x1024xf32, #tpu.memory_space<hbm>>
    tpu.wait_dma2 semaphore(%arg16 : memref<!tpu.dma_semaphore, #tpu.memory_space<semaphore_mem>>) src(%arg8 : memref<24x1024xf32, #tpu.memory_space<vmem>>) dst(%dma_wait3A_155 : memref<24x1024xf32, #tpu.memory_space<hbm>>)
    %dma_start3A_156 = arith.constant 240 : i32
    %dma_start3A_157 = tpu.memref_slice %arg5[%dma_start3A_156] : memref<264xi32, #tpu.memory_space<vmem>> -> memref<24xi32, #tpu.memory_space<vmem>>
    %dma_start3A_158 = arith.constant 0 : i32
    %dma_start3A_159 = arith.constant 0 : i32
    %dma_start3A_160 = tpu.memref_slice %arg3[%dma_start3A_158, %dma_start3A_159] : memref<65536x1024xf32, #tpu.memory_space<hbm>> -> memref<65536x1024xf32, #tpu.memory_space<hbm>>
    tpu.enqueue_indirect_dma source(%dma_start3A_160 : memref<65536x1024xf32, #tpu.memory_space<hbm>>) target(%arg8 : memref<24x1024xf32, #tpu.memory_space<vmem>>) offsets(%dma_start3A_157 : memref<24xi32, #tpu.memory_space<vmem>>) semaphore(%arg12 : memref<!tpu.dma_semaphore, #tpu.memory_space<semaphore_mem>>)
    %dma_wait3A_161 = arith.constant 168 : i32
    %dma_wait3A_162 = tpu.memref_slice %arg5[%dma_wait3A_161] : memref<264xi32, #tpu.memory_space<vmem>> -> memref<24xi32, #tpu.memory_space<vmem>>
    %dma_wait3A_163 = arith.constant 0 : i32
    %dma_wait3A_164 = arith.constant 0 : i32
    %dma_wait3A_165 = tpu.memref_slice %arg3[%dma_wait3A_163, %dma_wait3A_164] : memref<65536x1024xf32, #tpu.memory_space<hbm>> -> memref<65536x1024xf32, #tpu.memory_space<hbm>>
    tpu.wait_indirect_dma semaphore(%arg13 : memref<!tpu.dma_semaphore, #tpu.memory_space<semaphore_mem>>) src(%dma_wait3A_165 : memref<65536x1024xf32, #tpu.memory_space<hbm>>) dst(%arg9 : memref<24x1024xf32, #tpu.memory_space<vmem>>)
    %add3A_166 = arith.constant 168 : i32
    %add3A_167 = arith.addi %mul3A_2, %add3A_166 : i32
    %dma_start3A_168 = arith.constant 0 : i32
    %dma_start3A_169 = tpu.memref_slice %arg4[%add3A_167, %dma_start3A_168] : memref<8448x1024xf32, #tpu.memory_space<hbm>> -> memref<24x1024xf32, #tpu.memory_space<hbm>>
    %dma_start3A_170 = arith.constant 0 : i32
    %dma_start3A_171 = tpu.memref_slice %arg4[%add3A_167, %dma_start3A_170] : memref<8448x1024xf32, #tpu.memory_space<hbm>> -> memref<24x1024xf32, #tpu.memory_space<hbm>>
    tpu.enqueue_dma source(%arg9 : memref<24x1024xf32, #tpu.memory_space<vmem>>) target(%dma_start3A_171 : memref<24x1024xf32, #tpu.memory_space<hbm>>) target_semaphore(%arg17 : memref<!tpu.dma_semaphore, #tpu.memory_space<semaphore_mem>>)
    %dma_wait3A_172 = arith.constant 192 : i32
    %dma_wait3A_173 = tpu.memref_slice %arg5[%dma_wait3A_172] : memref<264xi32, #tpu.memory_space<vmem>> -> memref<24xi32, #tpu.memory_space<vmem>>
    %dma_wait3A_174 = arith.constant 0 : i32
    %dma_wait3A_175 = arith.constant 0 : i32
    %dma_wait3A_176 = tpu.memref_slice %arg3[%dma_wait3A_174, %dma_wait3A_175] : memref<65536x1024xf32, #tpu.memory_space<hbm>> -> memref<65536x1024xf32, #tpu.memory_space<hbm>>
    tpu.wait_indirect_dma semaphore(%arg10 : memref<!tpu.dma_semaphore, #tpu.memory_space<semaphore_mem>>) src(%dma_wait3A_176 : memref<65536x1024xf32, #tpu.memory_space<hbm>>) dst(%arg6 : memref<24x1024xf32, #tpu.memory_space<vmem>>)
    %add3A_177 = arith.constant 192 : i32
    %add3A_178 = arith.addi %mul3A_2, %add3A_177 : i32
    %dma_start3A_179 = arith.constant 0 : i32
    %dma_start3A_180 = tpu.memref_slice %arg4[%add3A_178, %dma_start3A_179] : memref<8448x1024xf32, #tpu.memory_space<hbm>> -> memref<24x1024xf32, #tpu.memory_space<hbm>>
    %dma_start3A_181 = arith.constant 0 : i32
    %dma_start3A_182 = tpu.memref_slice %arg4[%add3A_178, %dma_start3A_181] : memref<8448x1024xf32, #tpu.memory_space<hbm>> -> memref<24x1024xf32, #tpu.memory_space<hbm>>
    tpu.enqueue_dma source(%arg6 : memref<24x1024xf32, #tpu.memory_space<vmem>>) target(%dma_start3A_182 : memref<24x1024xf32, #tpu.memory_space<hbm>>) target_semaphore(%arg14 : memref<!tpu.dma_semaphore, #tpu.memory_space<semaphore_mem>>)
    %dma_wait3A_183 = arith.constant 216 : i32
    %dma_wait3A_184 = tpu.memref_slice %arg5[%dma_wait3A_183] : memref<264xi32, #tpu.memory_space<vmem>> -> memref<24xi32, #tpu.memory_space<vmem>>
    %dma_wait3A_185 = arith.constant 0 : i32
    %dma_wait3A_186 = arith.constant 0 : i32
    %dma_wait3A_187 = tpu.memref_slice %arg3[%dma_wait3A_185, %dma_wait3A_186] : memref<65536x1024xf32, #tpu.memory_space<hbm>> -> memref<65536x1024xf32, #tpu.memory_space<hbm>>
    tpu.wait_indirect_dma semaphore(%arg11 : memref<!tpu.dma_semaphore, #tpu.memory_space<semaphore_mem>>) src(%dma_wait3A_187 : memref<65536x1024xf32, #tpu.memory_space<hbm>>) dst(%arg7 : memref<24x1024xf32, #tpu.memory_space<vmem>>)
    %add3A_188 = arith.constant 216 : i32
    %add3A_189 = arith.addi %mul3A_2, %add3A_188 : i32
    %dma_start3A_190 = arith.constant 0 : i32
    %dma_start3A_191 = tpu.memref_slice %arg4[%add3A_189, %dma_start3A_190] : memref<8448x1024xf32, #tpu.memory_space<hbm>> -> memref<24x1024xf32, #tpu.memory_space<hbm>>
    %dma_start3A_192 = arith.constant 0 : i32
    %dma_start3A_193 = tpu.memref_slice %arg4[%add3A_189, %dma_start3A_192] : memref<8448x1024xf32, #tpu.memory_space<hbm>> -> memref<24x1024xf32, #tpu.memory_space<hbm>>
    tpu.enqueue_dma source(%arg7 : memref<24x1024xf32, #tpu.memory_space<vmem>>) target(%dma_start3A_193 : memref<24x1024xf32, #tpu.memory_space<hbm>>) target_semaphore(%arg15 : memref<!tpu.dma_semaphore, #tpu.memory_space<semaphore_mem>>)
    %dma_wait3A_194 = arith.constant 240 : i32
    %dma_wait3A_195 = tpu.memref_slice %arg5[%dma_wait3A_194] : memref<264xi32, #tpu.memory_space<vmem>> -> memref<24xi32, #tpu.memory_space<vmem>>
    %dma_wait3A_196 = arith.constant 0 : i32
    %dma_wait3A_197 = arith.constant 0 : i32
    %dma_wait3A_198 = tpu.memref_slice %arg3[%dma_wait3A_196, %dma_wait3A_197] : memref<65536x1024xf32, #tpu.memory_space<hbm>> -> memref<65536x1024xf32, #tpu.memory_space<hbm>>
    tpu.wait_indirect_dma semaphore(%arg12 : memref<!tpu.dma_semaphore, #tpu.memory_space<semaphore_mem>>) src(%dma_wait3A_198 : memref<65536x1024xf32, #tpu.memory_space<hbm>>) dst(%arg8 : memref<24x1024xf32, #tpu.memory_space<vmem>>)
    %add3A_199 = arith.constant 240 : i32
    %add3A_200 = arith.addi %mul3A_2, %add3A_199 : i32
    %dma_start3A_201 = arith.constant 0 : i32
    %dma_start3A_202 = tpu.memref_slice %arg4[%add3A_200, %dma_start3A_201] : memref<8448x1024xf32, #tpu.memory_space<hbm>> -> memref<24x1024xf32, #tpu.memory_space<hbm>>
    %dma_start3A_203 = arith.constant 0 : i32
    %dma_start3A_204 = tpu.memref_slice %arg4[%add3A_200, %dma_start3A_203] : memref<8448x1024xf32, #tpu.memory_space<hbm>> -> memref<24x1024xf32, #tpu.memory_space<hbm>>
    tpu.enqueue_dma source(%arg8 : memref<24x1024xf32, #tpu.memory_space<vmem>>) target(%dma_start3A_204 : memref<24x1024xf32, #tpu.memory_space<hbm>>) target_semaphore(%arg16 : memref<!tpu.dma_semaphore, #tpu.memory_space<semaphore_mem>>)
    %dma_wait3A_205 = arith.constant 0 : i32
    %dma_wait3A_206 = tpu.memref_slice %arg4[%add3A_178, %dma_wait3A_205] : memref<8448x1024xf32, #tpu.memory_space<hbm>> -> memref<24x1024xf32, #tpu.memory_space<hbm>>
    %dma_wait3A_207 = arith.constant 0 : i32
    %dma_wait3A_208 = tpu.memref_slice %arg4[%add3A_178, %dma_wait3A_207] : memref<8448x1024xf32, #tpu.memory_space<hbm>> -> memref<24x1024xf32, #tpu.memory_space<hbm>>
    tpu.wait_dma2 semaphore(%arg14 : memref<!tpu.dma_semaphore, #tpu.memory_space<semaphore_mem>>) src(%arg6 : memref<24x1024xf32, #tpu.memory_space<vmem>>) dst(%dma_wait3A_208 : memref<24x1024xf32, #tpu.memory_space<hbm>>)
    %dma_wait3A_209 = arith.constant 0 : i32
    %dma_wait3A_210 = tpu.memref_slice %arg4[%add3A_189, %dma_wait3A_209] : memref<8448x1024xf32, #tpu.memory_space<hbm>> -> memref<24x1024xf32, #tpu.memory_space<hbm>>
    %dma_wait3A_211 = arith.constant 0 : i32
    %dma_wait3A_212 = tpu.memref_slice %arg4[%add3A_189, %dma_wait3A_211] : memref<8448x1024xf32, #tpu.memory_space<hbm>> -> memref<24x1024xf32, #tpu.memory_space<hbm>>
    tpu.wait_dma2 semaphore(%arg15 : memref<!tpu.dma_semaphore, #tpu.memory_space<semaphore_mem>>) src(%arg7 : memref<24x1024xf32, #tpu.memory_space<vmem>>) dst(%dma_wait3A_212 : memref<24x1024xf32, #tpu.memory_space<hbm>>)
    %dma_wait3A_213 = arith.constant 0 : i32
    %dma_wait3A_214 = tpu.memref_slice %arg4[%add3A_200, %dma_wait3A_213] : memref<8448x1024xf32, #tpu.memory_space<hbm>> -> memref<24x1024xf32, #tpu.memory_space<hbm>>
    %dma_wait3A_215 = arith.constant 0 : i32
    %dma_wait3A_216 = tpu.memref_slice %arg4[%add3A_200, %dma_wait3A_215] : memref<8448x1024xf32, #tpu.memory_space<hbm>> -> memref<24x1024xf32, #tpu.memory_space<hbm>>
    tpu.wait_dma2 semaphore(%arg16 : memref<!tpu.dma_semaphore, #tpu.memory_space<semaphore_mem>>) src(%arg8 : memref<24x1024xf32, #tpu.memory_space<vmem>>) dst(%dma_wait3A_216 : memref<24x1024xf32, #tpu.memory_space<hbm>>)
    %dma_wait3A_217 = arith.constant 0 : i32
    %dma_wait3A_218 = tpu.memref_slice %arg4[%add3A_167, %dma_wait3A_217] : memref<8448x1024xf32, #tpu.memory_space<hbm>> -> memref<24x1024xf32, #tpu.memory_space<hbm>>
    %dma_wait3A_219 = arith.constant 0 : i32
    %dma_wait3A_220 = tpu.memref_slice %arg4[%add3A_167, %dma_wait3A_219] : memref<8448x1024xf32, #tpu.memory_space<hbm>> -> memref<24x1024xf32, #tpu.memory_space<hbm>>
    tpu.wait_dma2 semaphore(%arg17 : memref<!tpu.dma_semaphore, #tpu.memory_space<semaphore_mem>>) src(%arg9 : memref<24x1024xf32, #tpu.memory_space<vmem>>) dst(%dma_wait3A_220 : memref<24x1024xf32, #tpu.memory_space<hbm>>)
    return
  }
}

module attributes {stable_mosaic.version = 14 : i64} {
  func.func @_predict_kernel(%arg0: memref<32x1024xf32, #tpu.memory_space<vmem>>, %arg1: memref<1024x1024xf32, #tpu.memory_space<vmem>>, %arg2: memref<1x1024xf32, #tpu.memory_space<vmem>>, %arg3: memref<1x1024xf32, #tpu.memory_space<vmem>>, %arg4: memref<1x1xf32, #tpu.memory_space<smem>>, %arg5: memref<32x1xf32, #tpu.memory_space<vmem>>, %arg6: memref<32x1xi32, #tpu.memory_space<vmem>>, %arg7: memref<32x264xi32, #tpu.memory_space<vmem>>) attributes {dimension_semantics = [], scalar_prefetch = 0 : i64, scratch_operands = 0 : i64, tpu.core_type = #tpu.core_type<tc>} {
    %get3A = arith.constant 0 : index
    %get3A_0 = arith.constant 0 : index
    %get3A_1 = vector.load %arg0[%get3A, %get3A_0] : memref<32x1024xf32, #tpu.memory_space<vmem>>, vector<32x1024xf32>
    %get3A_2 = arith.constant 0 : index
    %get3A_3 = arith.constant 0 : index
    %get3A_4 = vector.load %arg1[%get3A_2, %get3A_3] : memref<1024x1024xf32, #tpu.memory_space<vmem>>, vector<1024x1024xf32>
    %dot_general3A = arith.constant dense<0.000000e+00> : vector<32x1024xf32>
    %dot_general3A_5 = tpu.matmul %get3A_1, %get3A_4, %dot_general3A {dimension_numbers = #tpu.dot_dimension_numbers<[1], [1], [0], [0], [0, 0, 1, 0], [], []>, transpose_lhs_hint = false} : vector<32x1024xf32>, vector<1024x1024xf32>, vector<32x1024xf32> -> vector<32x1024xf32>
    %get3A_6 = arith.constant 0 : index
    %get3A_7 = arith.constant 0 : index
    %get3A_8 = vector.load %arg2[%get3A_6, %get3A_7] : memref<1x1024xf32, #tpu.memory_space<vmem>>, vector<1x1024xf32>
    %add3A = vector.broadcast %get3A_8 : vector<1x1024xf32> to vector<32x1024xf32>
    %add3A_9 = arith.addf %dot_general3A_5, %add3A : vector<32x1024xf32>
    %tanh3A = math.tanh %add3A_9 : vector<32x1024xf32>
    %get3A_10 = arith.constant 0 : index
    %get3A_11 = arith.constant 0 : index
    %get3A_12 = vector.load %arg3[%get3A_10, %get3A_11] : memref<1x1024xf32, #tpu.memory_space<vmem>>, vector<1x1024xf32>
    %broadcast_in_dim3A = vector.shape_cast %get3A_12 : vector<1x1024xf32> to vector<1x1024xf32>
    %broadcast_in_dim3A_13 = vector.broadcast %broadcast_in_dim3A : vector<1x1024xf32> to vector<8x1024xf32>
    %dot_general3A_14 = arith.constant dense<0.000000e+00> : vector<32x8xf32>
    %dot_general3A_15 = tpu.matmul %tanh3A, %broadcast_in_dim3A_13, %dot_general3A_14 {dimension_numbers = #tpu.dot_dimension_numbers<[1], [1], [0], [0], [0, 0, 1, 0], [], []>, transpose_lhs_hint = false} : vector<32x1024xf32>, vector<8x1024xf32>, vector<32x8xf32> -> vector<32x8xf32>
    %slice3A = vector.extract_strided_slice %dot_general3A_15 {offsets = [0, 0], sizes = [32, 1], strides = [1, 1]} : vector<32x8xf32> to vector<32x1xf32>
    %get3A_16 = arith.constant 0 : index
    %get3A_17 = arith.constant 0 : index
    %get3A_18 = memref.load %arg4[%get3A_16, %get3A_17] : memref<1x1xf32, #tpu.memory_space<smem>>
    %add3A_19 = vector.broadcast %get3A_18 : f32 to vector<32x1xf32>
    %add3A_20 = arith.addf %slice3A, %add3A_19 : vector<32x1xf32>
    %logistic3A = arith.negf %add3A_20 : vector<32x1xf32>
    %logistic3A_21 = math.exp %logistic3A : vector<32x1xf32>
    %logistic3A_22 = arith.constant 1.000000e+00 : f32
    %logistic3A_23 = vector.broadcast %logistic3A_22 : f32 to vector<32x1xf32>
    %logistic3A_24 = arith.addf %logistic3A_23, %logistic3A_21 : vector<32x1xf32>
    %logistic3A_25 = arith.divf %logistic3A_23, %logistic3A_24 : vector<32x1xf32>
    %mul3A = arith.constant 2.048000e+03 : f32
    %mul3A_26 = vector.broadcast %mul3A : f32 to vector<32x1xf32>
    %mul3A_27 = arith.mulf %mul3A_26, %logistic3A_25 : vector<32x1xf32>
    %round3A = math.roundeven %mul3A_27 : vector<32x1xf32>
    %convert_element_type3A = arith.fptosi %round3A : vector<32x1xf32> to vector<32x1xi32>
    %swap3A = arith.constant 0 : index
    %swap3A_28 = arith.constant 0 : index
    %swap3A_29 = vector.load %arg5[%swap3A, %swap3A_28] : memref<32x1xf32, #tpu.memory_space<vmem>>, vector<32x1xf32>
    tpu.vector_store %arg5[%swap3A, %swap3A_28], %mul3A_27 {strides = array<i32>} : memref<32x1xf32, #tpu.memory_space<vmem>>, vector<32x1xf32>,
    %swap3A_30 = arith.constant 0 : index
    %swap3A_31 = arith.constant 0 : index
    %swap3A_32 = vector.load %arg6[%swap3A_30, %swap3A_31] : memref<32x1xi32, #tpu.memory_space<vmem>>, vector<32x1xi32>
    tpu.vector_store %arg6[%swap3A_30, %swap3A_31], %convert_element_type3A {strides = array<i32>} : memref<32x1xi32, #tpu.memory_space<vmem>>, vector<32x1xi32>,
    %iota3A = tpu.iota {dimensions = array<i32: 1>} : vector<32x264xi32>
    %iota3A_33 = tpu.iota {dimensions = array<i32: 0>} : vector<32x264xi32>
    %sub3A = arith.constant 128 : i32
    %sub3A_34 = vector.broadcast %sub3A : i32 to vector<32x1xi32>
    %sub3A_35 = arith.subi %convert_element_type3A, %sub3A_34 : vector<32x1xi32>
    %add3A_36 = vector.broadcast %sub3A_35 : vector<32x1xi32> to vector<32x264xi32>
    %add3A_37 = arith.addi %add3A_36, %iota3A : vector<32x264xi32>
    %jit3A = arith.constant 0 : i32
    %jit3A_38 = arith.constant 2047 : i32
    %max3A = vector.broadcast %jit3A : i32 to vector<32x264xi32>
    %max3A_39 = arith.maxsi %max3A, %add3A_37 : vector<32x264xi32>
    %min3A = vector.broadcast %jit3A_38 : i32 to vector<32x264xi32>
    %min3A_40 = arith.minsi %min3A, %max3A_39 : vector<32x264xi32>
    %mul3A_41 = arith.constant 32 : i32
    %mul3A_42 = vector.broadcast %mul3A_41 : i32 to vector<32x264xi32>
    %mul3A_43 = arith.muli %min3A_40, %mul3A_42 : vector<32x264xi32>
    %add3A_44 = arith.addi %mul3A_43, %iota3A_33 : vector<32x264xi32>
    %swap3A_45 = arith.constant 0 : index
    %swap3A_46 = arith.constant 0 : index
    %swap3A_47 = vector.load %arg7[%swap3A_45, %swap3A_46] : memref<32x264xi32, #tpu.memory_space<vmem>>, vector<32x264xi32>
    tpu.vector_store %arg7[%swap3A_45, %swap3A_46], %add3A_44 {strides = array<i32>} : memref<32x264xi32, #tpu.memory_space<vmem>>, vector<32x264xi32>,
    return
  }
}

module attributes {stable_mosaic.version = 14 : i64} {
  func.func @_attn_kernel(%arg0: i32, %arg1: memref<32x1xf32, #tpu.memory_space<smem>>, %arg2: memref<32x1xi32, #tpu.memory_space<smem>>, %arg3: memref<4x1x1024xf32, #tpu.memory_space<vmem>>, %arg4: memref<4x264x1024xf32, #tpu.memory_space<vmem>>, %arg5: memref<4x1x264xf32, #tpu.memory_space<vmem>>, %arg6: memref<4x1x1024xf32, #tpu.memory_space<vmem>>) attributes {dimension_semantics = [#tpu.dimension_semantics<parallel>], iteration_bounds = array<i64: 8>, scalar_prefetch = 0 : i64, scratch_operands = 0 : i64, tpu.core_type = #tpu.core_type<tc>, window_params = [{transform_indices = @transform_0, window_bounds = array<i64: 32, 1>}, {transform_indices = @transform_1, window_bounds = array<i64: 32, 1>}, {transform_indices = @transform_2, window_bounds = array<i64: 4, 1, 1024>}, {transform_indices = @transform_3, window_bounds = array<i64: 4, 264, 1024>}, {transform_indices = @transform_4, window_bounds = array<i64: 4, 1, 264>}, {transform_indices = @transform_5, window_bounds = array<i64: 4, 1, 1024>}]} {
    %get3A = arith.constant 0 : index
    %get3A_0 = arith.constant 0 : index
    %get3A_1 = arith.constant 0 : index
    %get3A_2 = vector.load %arg4[%get3A, %get3A_0, %get3A_1] : memref<4x264x1024xf32, #tpu.memory_space<vmem>>, vector<1x264x1024xf32>
    %get3A_3 = vector.shape_cast %get3A_2 : vector<1x264x1024xf32> to vector<264x1024xf32>
    %get3A_4 = arith.constant 0 : index
    %get3A_5 = arith.constant 0 : index
    %get3A_6 = arith.constant 0 : index
    %get3A_7 = vector.load %arg3[%get3A_4, %get3A_5, %get3A_6] : memref<4x1x1024xf32, #tpu.memory_space<vmem>>, vector<1x1x1024xf32>
    %get3A_8 = vector.shape_cast %get3A_7 : vector<1x1x1024xf32> to vector<1x1024xf32>
    %mul3A = arith.constant 4 : i32
    %mul3A_9 = arith.muli %arg0, %mul3A : i32
    %add3A = arith.constant 0 : i32
    %add3A_10 = arith.addi %mul3A_9, %add3A : i32
    %get3A_11 = arith.index_cast %add3A_10 : i32 to index
    %get3A_12 = arith.constant 0 : index
    %get3A_13 = memref.load %arg1[%get3A_11, %get3A_12] : memref<32x1xf32, #tpu.memory_space<smem>>
    %mul3A_14 = arith.constant 4 : i32
    %mul3A_15 = arith.muli %arg0, %mul3A_14 : i32
    %add3A_16 = arith.constant 0 : i32
    %add3A_17 = arith.addi %mul3A_15, %add3A_16 : i32
    %get3A_18 = arith.index_cast %add3A_17 : i32 to index
    %get3A_19 = arith.constant 0 : index
    %get3A_20 = memref.load %arg2[%get3A_18, %get3A_19] : memref<32x1xi32, #tpu.memory_space<smem>>
    %iota3A = tpu.iota {dimensions = array<i32: 1>} : vector<1x264xi32>
    %sub3A = arith.constant 128 : i32
    %sub3A_21 = arith.subi %get3A_20, %sub3A : i32
    %add3A_22 = vector.broadcast %sub3A_21 : i32 to vector<1x264xi32>
    %add3A_23 = arith.addi %add3A_22, %iota3A : vector<1x264xi32>
    %ge3A = arith.constant 0 : i32
    %ge3A_24 = vector.broadcast %ge3A : i32 to vector<1x264xi32>
    %ge3A_25 = arith.cmpi sge, %add3A_23, %ge3A_24 : vector<1x264xi32>
    %lt3A = arith.constant 2048 : i32
    %lt3A_26 = vector.broadcast %lt3A : i32 to vector<1x264xi32>
    %lt3A_27 = arith.cmpi slt, %add3A_23, %lt3A_26 : vector<1x264xi32>
    %and3A = arith.andi %ge3A_25, %lt3A_27 : vector<1x264xi1>
    %lt3A_28 = arith.constant 257 : i32
    %lt3A_29 = vector.broadcast %lt3A_28 : i32 to vector<1x264xi32>
    %lt3A_30 = arith.cmpi slt, %iota3A, %lt3A_29 : vector<1x264xi32>
    %and3A_31 = arith.andi %and3A, %lt3A_30 : vector<1x264xi1>
    %dot_general3A = arith.constant dense<0.000000e+00> : vector<1x264xf32>
    %dot_general3A_32 = tpu.matmul %get3A_8, %get3A_3, %dot_general3A {dimension_numbers = #tpu.dot_dimension_numbers<[1], [1], [0], [0], [0, 0, 1, 0], [], []>, transpose_lhs_hint = false} : vector<1x1024xf32>, vector<264x1024xf32>, vector<1x264xf32> -> vector<1x264xf32>
    %jit3A = arith.constant 0.000000e+00 : f32
    %broadcast_in_dim3A = vector.broadcast %jit3A : f32 to vector<1x264xf32>
    %select_n3A = arith.select %and3A_31, %dot_general3A_32, %broadcast_in_dim3A : vector<1x264xi1>, vector<1x264xf32>
    %jit3A_33 = arith.constant 0xFF800000 : f32
    %broadcast_in_dim3A_34 = vector.broadcast %jit3A_33 : f32 to vector<1x264xf32>
    %select_n3A_35 = arith.select %lt3A_30, %select_n3A, %broadcast_in_dim3A_34 : vector<1x264xi1>, vector<1x264xf32>
    %reduce_max3A = vector.shape_cast %select_n3A_35 : vector<1x264xf32> to vector<1x1x264xf32>
    %reduce_max3A_36 = arith.constant dense<0xFF800000> : vector<1xf32>
    %reduce_max3A_37 = vector.multi_reduction <maximumf>, %reduce_max3A, %reduce_max3A_36 [1, 2] : vector<1x1x264xf32> to vector<1xf32>
    %reduce_max3A_38 = vector.shape_cast %reduce_max3A_37 : vector<1xf32> to vector<1x1x1xf32>
    %reduce_max3A_39 = vector.extract %reduce_max3A_38[0, 0, 0] : f32 from vector<1x1x1xf32>
    %sub3A_40 = vector.broadcast %reduce_max3A_39 : f32 to vector<1x264xf32>
    %sub3A_41 = arith.subf %select_n3A, %sub3A_40 : vector<1x264xf32>
    %exp3A = math.exp %sub3A_41 : vector<1x264xf32>
    %jit3A_42 = arith.constant 0.000000e+00 : f32
    %broadcast_in_dim3A_43 = vector.broadcast %jit3A_42 : f32 to vector<1x264xf32>
    %select_n3A_44 = arith.select %lt3A_30, %exp3A, %broadcast_in_dim3A_43 : vector<1x264xi1>, vector<1x264xf32>
    %reduce_sum3A = vector.shape_cast %select_n3A_44 : vector<1x264xf32> to vector<1x1x264xf32>
    %reduce_sum3A_45 = arith.constant dense<0.000000e+00> : vector<1xf32>
    %reduce_sum3A_46 = vector.multi_reduction <add>, %reduce_sum3A, %reduce_sum3A_45 [1, 2] : vector<1x1x264xf32> to vector<1xf32>
    %reduce_sum3A_47 = vector.shape_cast %reduce_sum3A_46 : vector<1xf32> to vector<1x1x1xf32>
    %reduce_sum3A_48 = vector.extract %reduce_sum3A_47[0, 0, 0] : f32 from vector<1x1x1xf32>
    %div3A = vector.broadcast %reduce_sum3A_48 : f32 to vector<1x264xf32>
    %div3A_49 = arith.divf %select_n3A_44, %div3A : vector<1x264xf32>
    %convert_element_type3A = arith.sitofp %add3A_23 : vector<1x264xi32> to vector<1x264xf32>
    %sub3A_50 = vector.broadcast %get3A_13 : f32 to vector<1x264xf32>
    %sub3A_51 = arith.subf %convert_element_type3A, %sub3A_50 : vector<1x264xf32>
    %integer_pow3A = arith.mulf %sub3A_51, %sub3A_51 : vector<1x264xf32>
    %mul3A_52 = arith.constant -1.22070313E-4 : f32
    %mul3A_53 = vector.broadcast %mul3A_52 : f32 to vector<1x264xf32>
    %mul3A_54 = arith.mulf %integer_pow3A, %mul3A_53 : vector<1x264xf32>
    %exp3A_55 = math.exp %mul3A_54 : vector<1x264xf32>
    %mul3A_56 = arith.mulf %div3A_49, %exp3A_55 : vector<1x264xf32>
    %swap3A = arith.constant 0 : index
    %swap3A_57 = arith.constant 0 : index
    %swap3A_58 = arith.constant 0 : index
    %swap3A_59 = vector.load %arg5[%swap3A, %swap3A_57, %swap3A_58] : memref<4x1x264xf32, #tpu.memory_space<vmem>>, vector<1x1x264xf32>
    %swap3A_60 = vector.shape_cast %swap3A_59 : vector<1x1x264xf32> to vector<1x264xf32>
    %swap3A_61 = vector.shape_cast %mul3A_56 : vector<1x264xf32> to vector<1x1x264xf32>
    tpu.vector_store %arg5[%swap3A, %swap3A_57, %swap3A_58], %swap3A_61 {strides = array<i32>} : memref<4x1x264xf32, #tpu.memory_space<vmem>>, vector<1x1x264xf32>,
    %jit3A_62 = arith.constant 0.000000e+00 : f32
    %broadcast_in_dim3A_63 = vector.broadcast %jit3A_62 : f32 to vector<1x264xf32>
    %select_n3A_64 = arith.select %and3A_31, %mul3A_56, %broadcast_in_dim3A_63 : vector<1x264xi1>, vector<1x264xf32>
    %dot_general3A_65 = arith.constant dense<0.000000e+00> : vector<1x1024xf32>
    %dot_general3A_66 = tpu.matmul %select_n3A_64, %get3A_3, %dot_general3A_65 {dimension_numbers = #tpu.dot_dimension_numbers<[1], [0], [0], [1], [0, 0, 1, 1], [], []>, transpose_lhs_hint = false} : vector<1x264xf32>, vector<264x1024xf32>, vector<1x1024xf32> -> vector<1x1024xf32>
    %swap3A_67 = arith.constant 0 : index
    %swap3A_68 = arith.constant 0 : index
    %swap3A_69 = arith.constant 0 : index
    %swap3A_70 = vector.load %arg6[%swap3A_67, %swap3A_68, %swap3A_69] : memref<4x1x1024xf32, #tpu.memory_space<vmem>>, vector<1x1x1024xf32>
    %swap3A_71 = vector.shape_cast %swap3A_70 : vector<1x1x1024xf32> to vector<1x1024xf32>
    %swap3A_72 = vector.shape_cast %dot_general3A_66 : vector<1x1024xf32> to vector<1x1x1024xf32>
    tpu.vector_store %arg6[%swap3A_67, %swap3A_68, %swap3A_69], %swap3A_72 {strides = array<i32>} : memref<4x1x1024xf32, #tpu.memory_space<vmem>>, vector<1x1x1024xf32>,
    %get3A_73 = arith.constant 1 : index
    %get3A_74 = arith.constant 0 : index
    %get3A_75 = arith.constant 0 : index
    %get3A_76 = vector.load %arg4[%get3A_73, %get3A_74, %get3A_75] : memref<4x264x1024xf32, #tpu.memory_space<vmem>>, vector<1x264x1024xf32>
    %get3A_77 = vector.shape_cast %get3A_76 : vector<1x264x1024xf32> to vector<264x1024xf32>
    %get3A_78 = arith.constant 1 : index
    %get3A_79 = arith.constant 0 : index
    %get3A_80 = arith.constant 0 : index
    %get3A_81 = vector.load %arg3[%get3A_78, %get3A_79, %get3A_80] : memref<4x1x1024xf32, #tpu.memory_space<vmem>>, vector<1x1x1024xf32>
    %get3A_82 = vector.shape_cast %get3A_81 : vector<1x1x1024xf32> to vector<1x1024xf32>
    %mul3A_83 = arith.constant 4 : i32
    %mul3A_84 = arith.muli %arg0, %mul3A_83 : i32
    %add3A_85 = arith.constant 1 : i32
    %add3A_86 = arith.addi %mul3A_84, %add3A_85 : i32
    %get3A_87 = arith.index_cast %add3A_86 : i32 to index
    %get3A_88 = arith.constant 0 : index
    %get3A_89 = memref.load %arg1[%get3A_87, %get3A_88] : memref<32x1xf32, #tpu.memory_space<smem>>
    %mul3A_90 = arith.constant 4 : i32
    %mul3A_91 = arith.muli %arg0, %mul3A_90 : i32
    %add3A_92 = arith.constant 1 : i32
    %add3A_93 = arith.addi %mul3A_91, %add3A_92 : i32
    %get3A_94 = arith.index_cast %add3A_93 : i32 to index
    %get3A_95 = arith.constant 0 : index
    %get3A_96 = memref.load %arg2[%get3A_94, %get3A_95] : memref<32x1xi32, #tpu.memory_space<smem>>
    %iota3A_97 = tpu.iota {dimensions = array<i32: 1>} : vector<1x264xi32>
    %sub3A_98 = arith.constant 128 : i32
    %sub3A_99 = arith.subi %get3A_96, %sub3A_98 : i32
    %add3A_100 = vector.broadcast %sub3A_99 : i32 to vector<1x264xi32>
    %add3A_101 = arith.addi %add3A_100, %iota3A_97 : vector<1x264xi32>
    %ge3A_102 = arith.constant 0 : i32
    %ge3A_103 = vector.broadcast %ge3A_102 : i32 to vector<1x264xi32>
    %ge3A_104 = arith.cmpi sge, %add3A_101, %ge3A_103 : vector<1x264xi32>
    %lt3A_105 = arith.constant 2048 : i32
    %lt3A_106 = vector.broadcast %lt3A_105 : i32 to vector<1x264xi32>
    %lt3A_107 = arith.cmpi slt, %add3A_101, %lt3A_106 : vector<1x264xi32>
    %and3A_108 = arith.andi %ge3A_104, %lt3A_107 : vector<1x264xi1>
    %lt3A_109 = arith.constant 257 : i32
    %lt3A_110 = vector.broadcast %lt3A_109 : i32 to vector<1x264xi32>
    %lt3A_111 = arith.cmpi slt, %iota3A_97, %lt3A_110 : vector<1x264xi32>
    %and3A_112 = arith.andi %and3A_108, %lt3A_111 : vector<1x264xi1>
    %dot_general3A_113 = arith.constant dense<0.000000e+00> : vector<1x264xf32>
    %dot_general3A_114 = tpu.matmul %get3A_82, %get3A_77, %dot_general3A_113 {dimension_numbers = #tpu.dot_dimension_numbers<[1], [1], [0], [0], [0, 0, 1, 0], [], []>, transpose_lhs_hint = false} : vector<1x1024xf32>, vector<264x1024xf32>, vector<1x264xf32> -> vector<1x264xf32>
    %jit3A_115 = arith.constant 0.000000e+00 : f32
    %broadcast_in_dim3A_116 = vector.broadcast %jit3A_115 : f32 to vector<1x264xf32>
    %select_n3A_117 = arith.select %and3A_112, %dot_general3A_114, %broadcast_in_dim3A_116 : vector<1x264xi1>, vector<1x264xf32>
    %jit3A_118 = arith.constant 0xFF800000 : f32
    %broadcast_in_dim3A_119 = vector.broadcast %jit3A_118 : f32 to vector<1x264xf32>
    %select_n3A_120 = arith.select %lt3A_111, %select_n3A_117, %broadcast_in_dim3A_119 : vector<1x264xi1>, vector<1x264xf32>
    %reduce_max3A_121 = vector.shape_cast %select_n3A_120 : vector<1x264xf32> to vector<1x1x264xf32>
    %reduce_max3A_122 = arith.constant dense<0xFF800000> : vector<1xf32>
    %reduce_max3A_123 = vector.multi_reduction <maximumf>, %reduce_max3A_121, %reduce_max3A_122 [1, 2] : vector<1x1x264xf32> to vector<1xf32>
    %reduce_max3A_124 = vector.shape_cast %reduce_max3A_123 : vector<1xf32> to vector<1x1x1xf32>
    %reduce_max3A_125 = vector.extract %reduce_max3A_124[0, 0, 0] : f32 from vector<1x1x1xf32>
    %sub3A_126 = vector.broadcast %reduce_max3A_125 : f32 to vector<1x264xf32>
    %sub3A_127 = arith.subf %select_n3A_117, %sub3A_126 : vector<1x264xf32>
    %exp3A_128 = math.exp %sub3A_127 : vector<1x264xf32>
    %jit3A_129 = arith.constant 0.000000e+00 : f32
    %broadcast_in_dim3A_130 = vector.broadcast %jit3A_129 : f32 to vector<1x264xf32>
    %select_n3A_131 = arith.select %lt3A_111, %exp3A_128, %broadcast_in_dim3A_130 : vector<1x264xi1>, vector<1x264xf32>
    %reduce_sum3A_132 = vector.shape_cast %select_n3A_131 : vector<1x264xf32> to vector<1x1x264xf32>
    %reduce_sum3A_133 = arith.constant dense<0.000000e+00> : vector<1xf32>
    %reduce_sum3A_134 = vector.multi_reduction <add>, %reduce_sum3A_132, %reduce_sum3A_133 [1, 2] : vector<1x1x264xf32> to vector<1xf32>
    %reduce_sum3A_135 = vector.shape_cast %reduce_sum3A_134 : vector<1xf32> to vector<1x1x1xf32>
    %reduce_sum3A_136 = vector.extract %reduce_sum3A_135[0, 0, 0] : f32 from vector<1x1x1xf32>
    %div3A_137 = vector.broadcast %reduce_sum3A_136 : f32 to vector<1x264xf32>
    %div3A_138 = arith.divf %select_n3A_131, %div3A_137 : vector<1x264xf32>
    %convert_element_type3A_139 = arith.sitofp %add3A_101 : vector<1x264xi32> to vector<1x264xf32>
    %sub3A_140 = vector.broadcast %get3A_89 : f32 to vector<1x264xf32>
    %sub3A_141 = arith.subf %convert_element_type3A_139, %sub3A_140 : vector<1x264xf32>
    %integer_pow3A_142 = arith.mulf %sub3A_141, %sub3A_141 : vector<1x264xf32>
    %mul3A_143 = arith.constant -1.22070313E-4 : f32
    %mul3A_144 = vector.broadcast %mul3A_143 : f32 to vector<1x264xf32>
    %mul3A_145 = arith.mulf %integer_pow3A_142, %mul3A_144 : vector<1x264xf32>
    %exp3A_146 = math.exp %mul3A_145 : vector<1x264xf32>
    %mul3A_147 = arith.mulf %div3A_138, %exp3A_146 : vector<1x264xf32>
    %swap3A_148 = arith.constant 1 : index
    %swap3A_149 = arith.constant 0 : index
    %swap3A_150 = arith.constant 0 : index
    %swap3A_151 = vector.load %arg5[%swap3A_148, %swap3A_149, %swap3A_150] : memref<4x1x264xf32, #tpu.memory_space<vmem>>, vector<1x1x264xf32>
    %swap3A_152 = vector.shape_cast %swap3A_151 : vector<1x1x264xf32> to vector<1x264xf32>
    %swap3A_153 = vector.shape_cast %mul3A_147 : vector<1x264xf32> to vector<1x1x264xf32>
    tpu.vector_store %arg5[%swap3A_148, %swap3A_149, %swap3A_150], %swap3A_153 {strides = array<i32>} : memref<4x1x264xf32, #tpu.memory_space<vmem>>, vector<1x1x264xf32>,
    %jit3A_154 = arith.constant 0.000000e+00 : f32
    %broadcast_in_dim3A_155 = vector.broadcast %jit3A_154 : f32 to vector<1x264xf32>
    %select_n3A_156 = arith.select %and3A_112, %mul3A_147, %broadcast_in_dim3A_155 : vector<1x264xi1>, vector<1x264xf32>
    %dot_general3A_157 = arith.constant dense<0.000000e+00> : vector<1x1024xf32>
    %dot_general3A_158 = tpu.matmul %select_n3A_156, %get3A_77, %dot_general3A_157 {dimension_numbers = #tpu.dot_dimension_numbers<[1], [0], [0], [1], [0, 0, 1, 1], [], []>, transpose_lhs_hint = false} : vector<1x264xf32>, vector<264x1024xf32>, vector<1x1024xf32> -> vector<1x1024xf32>
    %swap3A_159 = arith.constant 1 : index
    %swap3A_160 = arith.constant 0 : index
    %swap3A_161 = arith.constant 0 : index
    %swap3A_162 = vector.load %arg6[%swap3A_159, %swap3A_160, %swap3A_161] : memref<4x1x1024xf32, #tpu.memory_space<vmem>>, vector<1x1x1024xf32>
    %swap3A_163 = vector.shape_cast %swap3A_162 : vector<1x1x1024xf32> to vector<1x1024xf32>
    %swap3A_164 = vector.shape_cast %dot_general3A_158 : vector<1x1024xf32> to vector<1x1x1024xf32>
    tpu.vector_store %arg6[%swap3A_159, %swap3A_160, %swap3A_161], %swap3A_164 {strides = array<i32>} : memref<4x1x1024xf32, #tpu.memory_space<vmem>>, vector<1x1x1024xf32>,
    %get3A_165 = arith.constant 2 : index
    %get3A_166 = arith.constant 0 : index
    %get3A_167 = arith.constant 0 : index
    %get3A_168 = vector.load %arg4[%get3A_165, %get3A_166, %get3A_167] : memref<4x264x1024xf32, #tpu.memory_space<vmem>>, vector<1x264x1024xf32>
    %get3A_169 = vector.shape_cast %get3A_168 : vector<1x264x1024xf32> to vector<264x1024xf32>
    %get3A_170 = arith.constant 2 : index
    %get3A_171 = arith.constant 0 : index
    %get3A_172 = arith.constant 0 : index
    %get3A_173 = vector.load %arg3[%get3A_170, %get3A_171, %get3A_172] : memref<4x1x1024xf32, #tpu.memory_space<vmem>>, vector<1x1x1024xf32>
    %get3A_174 = vector.shape_cast %get3A_173 : vector<1x1x1024xf32> to vector<1x1024xf32>
    %mul3A_175 = arith.constant 4 : i32
    %mul3A_176 = arith.muli %arg0, %mul3A_175 : i32
    %add3A_177 = arith.constant 2 : i32
    %add3A_178 = arith.addi %mul3A_176, %add3A_177 : i32
    %get3A_179 = arith.index_cast %add3A_178 : i32 to index
    %get3A_180 = arith.constant 0 : index
    %get3A_181 = memref.load %arg1[%get3A_179, %get3A_180] : memref<32x1xf32, #tpu.memory_space<smem>>
    %mul3A_182 = arith.constant 4 : i32
    %mul3A_183 = arith.muli %arg0, %mul3A_182 : i32
    %add3A_184 = arith.constant 2 : i32
    %add3A_185 = arith.addi %mul3A_183, %add3A_184 : i32
    %get3A_186 = arith.index_cast %add3A_185 : i32 to index
    %get3A_187 = arith.constant 0 : index
    %get3A_188 = memref.load %arg2[%get3A_186, %get3A_187] : memref<32x1xi32, #tpu.memory_space<smem>>
    %iota3A_189 = tpu.iota {dimensions = array<i32: 1>} : vector<1x264xi32>
    %sub3A_190 = arith.constant 128 : i32
    %sub3A_191 = arith.subi %get3A_188, %sub3A_190 : i32
    %add3A_192 = vector.broadcast %sub3A_191 : i32 to vector<1x264xi32>
    %add3A_193 = arith.addi %add3A_192, %iota3A_189 : vector<1x264xi32>
    %ge3A_194 = arith.constant 0 : i32
    %ge3A_195 = vector.broadcast %ge3A_194 : i32 to vector<1x264xi32>
    %ge3A_196 = arith.cmpi sge, %add3A_193, %ge3A_195 : vector<1x264xi32>
    %lt3A_197 = arith.constant 2048 : i32
    %lt3A_198 = vector.broadcast %lt3A_197 : i32 to vector<1x264xi32>
    %lt3A_199 = arith.cmpi slt, %add3A_193, %lt3A_198 : vector<1x264xi32>
    %and3A_200 = arith.andi %ge3A_196, %lt3A_199 : vector<1x264xi1>
    %lt3A_201 = arith.constant 257 : i32
    %lt3A_202 = vector.broadcast %lt3A_201 : i32 to vector<1x264xi32>
    %lt3A_203 = arith.cmpi slt, %iota3A_189, %lt3A_202 : vector<1x264xi32>
    %and3A_204 = arith.andi %and3A_200, %lt3A_203 : vector<1x264xi1>
    %dot_general3A_205 = arith.constant dense<0.000000e+00> : vector<1x264xf32>
    %dot_general3A_206 = tpu.matmul %get3A_174, %get3A_169, %dot_general3A_205 {dimension_numbers = #tpu.dot_dimension_numbers<[1], [1], [0], [0], [0, 0, 1, 0], [], []>, transpose_lhs_hint = false} : vector<1x1024xf32>, vector<264x1024xf32>, vector<1x264xf32> -> vector<1x264xf32>
    %jit3A_207 = arith.constant 0.000000e+00 : f32
    %broadcast_in_dim3A_208 = vector.broadcast %jit3A_207 : f32 to vector<1x264xf32>
    %select_n3A_209 = arith.select %and3A_204, %dot_general3A_206, %broadcast_in_dim3A_208 : vector<1x264xi1>, vector<1x264xf32>
    %jit3A_210 = arith.constant 0xFF800000 : f32
    %broadcast_in_dim3A_211 = vector.broadcast %jit3A_210 : f32 to vector<1x264xf32>
    %select_n3A_212 = arith.select %lt3A_203, %select_n3A_209, %broadcast_in_dim3A_211 : vector<1x264xi1>, vector<1x264xf32>
    %reduce_max3A_213 = vector.shape_cast %select_n3A_212 : vector<1x264xf32> to vector<1x1x264xf32>
    %reduce_max3A_214 = arith.constant dense<0xFF800000> : vector<1xf32>
    %reduce_max3A_215 = vector.multi_reduction <maximumf>, %reduce_max3A_213, %reduce_max3A_214 [1, 2] : vector<1x1x264xf32> to vector<1xf32>
    %reduce_max3A_216 = vector.shape_cast %reduce_max3A_215 : vector<1xf32> to vector<1x1x1xf32>
    %reduce_max3A_217 = vector.extract %reduce_max3A_216[0, 0, 0] : f32 from vector<1x1x1xf32>
    %sub3A_218 = vector.broadcast %reduce_max3A_217 : f32 to vector<1x264xf32>
    %sub3A_219 = arith.subf %select_n3A_209, %sub3A_218 : vector<1x264xf32>
    %exp3A_220 = math.exp %sub3A_219 : vector<1x264xf32>
    %jit3A_221 = arith.constant 0.000000e+00 : f32
    %broadcast_in_dim3A_222 = vector.broadcast %jit3A_221 : f32 to vector<1x264xf32>
    %select_n3A_223 = arith.select %lt3A_203, %exp3A_220, %broadcast_in_dim3A_222 : vector<1x264xi1>, vector<1x264xf32>
    %reduce_sum3A_224 = vector.shape_cast %select_n3A_223 : vector<1x264xf32> to vector<1x1x264xf32>
    %reduce_sum3A_225 = arith.constant dense<0.000000e+00> : vector<1xf32>
    %reduce_sum3A_226 = vector.multi_reduction <add>, %reduce_sum3A_224, %reduce_sum3A_225 [1, 2] : vector<1x1x264xf32> to vector<1xf32>
    %reduce_sum3A_227 = vector.shape_cast %reduce_sum3A_226 : vector<1xf32> to vector<1x1x1xf32>
    %reduce_sum3A_228 = vector.extract %reduce_sum3A_227[0, 0, 0] : f32 from vector<1x1x1xf32>
    %div3A_229 = vector.broadcast %reduce_sum3A_228 : f32 to vector<1x264xf32>
    %div3A_230 = arith.divf %select_n3A_223, %div3A_229 : vector<1x264xf32>
    %convert_element_type3A_231 = arith.sitofp %add3A_193 : vector<1x264xi32> to vector<1x264xf32>
    %sub3A_232 = vector.broadcast %get3A_181 : f32 to vector<1x264xf32>
    %sub3A_233 = arith.subf %convert_element_type3A_231, %sub3A_232 : vector<1x264xf32>
    %integer_pow3A_234 = arith.mulf %sub3A_233, %sub3A_233 : vector<1x264xf32>
    %mul3A_235 = arith.constant -1.22070313E-4 : f32
    %mul3A_236 = vector.broadcast %mul3A_235 : f32 to vector<1x264xf32>
    %mul3A_237 = arith.mulf %integer_pow3A_234, %mul3A_236 : vector<1x264xf32>
    %exp3A_238 = math.exp %mul3A_237 : vector<1x264xf32>
    %mul3A_239 = arith.mulf %div3A_230, %exp3A_238 : vector<1x264xf32>
    %swap3A_240 = arith.constant 2 : index
    %swap3A_241 = arith.constant 0 : index
    %swap3A_242 = arith.constant 0 : index
    %swap3A_243 = vector.load %arg5[%swap3A_240, %swap3A_241, %swap3A_242] : memref<4x1x264xf32, #tpu.memory_space<vmem>>, vector<1x1x264xf32>
    %swap3A_244 = vector.shape_cast %swap3A_243 : vector<1x1x264xf32> to vector<1x264xf32>
    %swap3A_245 = vector.shape_cast %mul3A_239 : vector<1x264xf32> to vector<1x1x264xf32>
    tpu.vector_store %arg5[%swap3A_240, %swap3A_241, %swap3A_242], %swap3A_245 {strides = array<i32>} : memref<4x1x264xf32, #tpu.memory_space<vmem>>, vector<1x1x264xf32>,
    %jit3A_246 = arith.constant 0.000000e+00 : f32
    %broadcast_in_dim3A_247 = vector.broadcast %jit3A_246 : f32 to vector<1x264xf32>
    %select_n3A_248 = arith.select %and3A_204, %mul3A_239, %broadcast_in_dim3A_247 : vector<1x264xi1>, vector<1x264xf32>
    %dot_general3A_249 = arith.constant dense<0.000000e+00> : vector<1x1024xf32>
    %dot_general3A_250 = tpu.matmul %select_n3A_248, %get3A_169, %dot_general3A_249 {dimension_numbers = #tpu.dot_dimension_numbers<[1], [0], [0], [1], [0, 0, 1, 1], [], []>, transpose_lhs_hint = false} : vector<1x264xf32>, vector<264x1024xf32>, vector<1x1024xf32> -> vector<1x1024xf32>
    %swap3A_251 = arith.constant 2 : index
    %swap3A_252 = arith.constant 0 : index
    %swap3A_253 = arith.constant 0 : index
    %swap3A_254 = vector.load %arg6[%swap3A_251, %swap3A_252, %swap3A_253] : memref<4x1x1024xf32, #tpu.memory_space<vmem>>, vector<1x1x1024xf32>
    %swap3A_255 = vector.shape_cast %swap3A_254 : vector<1x1x1024xf32> to vector<1x1024xf32>
    %swap3A_256 = vector.shape_cast %dot_general3A_250 : vector<1x1024xf32> to vector<1x1x1024xf32>
    tpu.vector_store %arg6[%swap3A_251, %swap3A_252, %swap3A_253], %swap3A_256 {strides = array<i32>} : memref<4x1x1024xf32, #tpu.memory_space<vmem>>, vector<1x1x1024xf32>,
    %get3A_257 = arith.constant 3 : index
    %get3A_258 = arith.constant 0 : index
    %get3A_259 = arith.constant 0 : index
    %get3A_260 = vector.load %arg4[%get3A_257, %get3A_258, %get3A_259] : memref<4x264x1024xf32, #tpu.memory_space<vmem>>, vector<1x264x1024xf32>
    %get3A_261 = vector.shape_cast %get3A_260 : vector<1x264x1024xf32> to vector<264x1024xf32>
    %get3A_262 = arith.constant 3 : index
    %get3A_263 = arith.constant 0 : index
    %get3A_264 = arith.constant 0 : index
    %get3A_265 = vector.load %arg3[%get3A_262, %get3A_263, %get3A_264] : memref<4x1x1024xf32, #tpu.memory_space<vmem>>, vector<1x1x1024xf32>
    %get3A_266 = vector.shape_cast %get3A_265 : vector<1x1x1024xf32> to vector<1x1024xf32>
    %mul3A_267 = arith.constant 4 : i32
    %mul3A_268 = arith.muli %arg0, %mul3A_267 : i32
    %add3A_269 = arith.constant 3 : i32
    %add3A_270 = arith.addi %mul3A_268, %add3A_269 : i32
    %get3A_271 = arith.index_cast %add3A_270 : i32 to index
    %get3A_272 = arith.constant 0 : index
    %get3A_273 = memref.load %arg1[%get3A_271, %get3A_272] : memref<32x1xf32, #tpu.memory_space<smem>>
    %mul3A_274 = arith.constant 4 : i32
    %mul3A_275 = arith.muli %arg0, %mul3A_274 : i32
    %add3A_276 = arith.constant 3 : i32
    %add3A_277 = arith.addi %mul3A_275, %add3A_276 : i32
    %get3A_278 = arith.index_cast %add3A_277 : i32 to index
    %get3A_279 = arith.constant 0 : index
    %get3A_280 = memref.load %arg2[%get3A_278, %get3A_279] : memref<32x1xi32, #tpu.memory_space<smem>>
    %iota3A_281 = tpu.iota {dimensions = array<i32: 1>} : vector<1x264xi32>
    %sub3A_282 = arith.constant 128 : i32
    %sub3A_283 = arith.subi %get3A_280, %sub3A_282 : i32
    %add3A_284 = vector.broadcast %sub3A_283 : i32 to vector<1x264xi32>
    %add3A_285 = arith.addi %add3A_284, %iota3A_281 : vector<1x264xi32>
    %ge3A_286 = arith.constant 0 : i32
    %ge3A_287 = vector.broadcast %ge3A_286 : i32 to vector<1x264xi32>
    %ge3A_288 = arith.cmpi sge, %add3A_285, %ge3A_287 : vector<1x264xi32>
    %lt3A_289 = arith.constant 2048 : i32
    %lt3A_290 = vector.broadcast %lt3A_289 : i32 to vector<1x264xi32>
    %lt3A_291 = arith.cmpi slt, %add3A_285, %lt3A_290 : vector<1x264xi32>
    %and3A_292 = arith.andi %ge3A_288, %lt3A_291 : vector<1x264xi1>
    %lt3A_293 = arith.constant 257 : i32
    %lt3A_294 = vector.broadcast %lt3A_293 : i32 to vector<1x264xi32>
    %lt3A_295 = arith.cmpi slt, %iota3A_281, %lt3A_294 : vector<1x264xi32>
    %and3A_296 = arith.andi %and3A_292, %lt3A_295 : vector<1x264xi1>
    %dot_general3A_297 = arith.constant dense<0.000000e+00> : vector<1x264xf32>
    %dot_general3A_298 = tpu.matmul %get3A_266, %get3A_261, %dot_general3A_297 {dimension_numbers = #tpu.dot_dimension_numbers<[1], [1], [0], [0], [0, 0, 1, 0], [], []>, transpose_lhs_hint = false} : vector<1x1024xf32>, vector<264x1024xf32>, vector<1x264xf32> -> vector<1x264xf32>
    %jit3A_299 = arith.constant 0.000000e+00 : f32
    %broadcast_in_dim3A_300 = vector.broadcast %jit3A_299 : f32 to vector<1x264xf32>
    %select_n3A_301 = arith.select %and3A_296, %dot_general3A_298, %broadcast_in_dim3A_300 : vector<1x264xi1>, vector<1x264xf32>
    %jit3A_302 = arith.constant 0xFF800000 : f32
    %broadcast_in_dim3A_303 = vector.broadcast %jit3A_302 : f32 to vector<1x264xf32>
    %select_n3A_304 = arith.select %lt3A_295, %select_n3A_301, %broadcast_in_dim3A_303 : vector<1x264xi1>, vector<1x264xf32>
    %reduce_max3A_305 = vector.shape_cast %select_n3A_304 : vector<1x264xf32> to vector<1x1x264xf32>
    %reduce_max3A_306 = arith.constant dense<0xFF800000> : vector<1xf32>
    %reduce_max3A_307 = vector.multi_reduction <maximumf>, %reduce_max3A_305, %reduce_max3A_306 [1, 2] : vector<1x1x264xf32> to vector<1xf32>
    %reduce_max3A_308 = vector.shape_cast %reduce_max3A_307 : vector<1xf32> to vector<1x1x1xf32>
    %reduce_max3A_309 = vector.extract %reduce_max3A_308[0, 0, 0] : f32 from vector<1x1x1xf32>
    %sub3A_310 = vector.broadcast %reduce_max3A_309 : f32 to vector<1x264xf32>
    %sub3A_311 = arith.subf %select_n3A_301, %sub3A_310 : vector<1x264xf32>
    %exp3A_312 = math.exp %sub3A_311 : vector<1x264xf32>
    %jit3A_313 = arith.constant 0.000000e+00 : f32
    %broadcast_in_dim3A_314 = vector.broadcast %jit3A_313 : f32 to vector<1x264xf32>
    %select_n3A_315 = arith.select %lt3A_295, %exp3A_312, %broadcast_in_dim3A_314 : vector<1x264xi1>, vector<1x264xf32>
    %reduce_sum3A_316 = vector.shape_cast %select_n3A_315 : vector<1x264xf32> to vector<1x1x264xf32>
    %reduce_sum3A_317 = arith.constant dense<0.000000e+00> : vector<1xf32>
    %reduce_sum3A_318 = vector.multi_reduction <add>, %reduce_sum3A_316, %reduce_sum3A_317 [1, 2] : vector<1x1x264xf32> to vector<1xf32>
    %reduce_sum3A_319 = vector.shape_cast %reduce_sum3A_318 : vector<1xf32> to vector<1x1x1xf32>
    %reduce_sum3A_320 = vector.extract %reduce_sum3A_319[0, 0, 0] : f32 from vector<1x1x1xf32>
    %div3A_321 = vector.broadcast %reduce_sum3A_320 : f32 to vector<1x264xf32>
    %div3A_322 = arith.divf %select_n3A_315, %div3A_321 : vector<1x264xf32>
    %convert_element_type3A_323 = arith.sitofp %add3A_285 : vector<1x264xi32> to vector<1x264xf32>
    %sub3A_324 = vector.broadcast %get3A_273 : f32 to vector<1x264xf32>
    %sub3A_325 = arith.subf %convert_element_type3A_323, %sub3A_324 : vector<1x264xf32>
    %integer_pow3A_326 = arith.mulf %sub3A_325, %sub3A_325 : vector<1x264xf32>
    %mul3A_327 = arith.constant -1.22070313E-4 : f32
    %mul3A_328 = vector.broadcast %mul3A_327 : f32 to vector<1x264xf32>
    %mul3A_329 = arith.mulf %integer_pow3A_326, %mul3A_328 : vector<1x264xf32>
    %exp3A_330 = math.exp %mul3A_329 : vector<1x264xf32>
    %mul3A_331 = arith.mulf %div3A_322, %exp3A_330 : vector<1x264xf32>
    %swap3A_332 = arith.constant 3 : index
    %swap3A_333 = arith.constant 0 : index
    %swap3A_334 = arith.constant 0 : index
    %swap3A_335 = vector.load %arg5[%swap3A_332, %swap3A_333, %swap3A_334] : memref<4x1x264xf32, #tpu.memory_space<vmem>>, vector<1x1x264xf32>
    %swap3A_336 = vector.shape_cast %swap3A_335 : vector<1x1x264xf32> to vector<1x264xf32>
    %swap3A_337 = vector.shape_cast %mul3A_331 : vector<1x264xf32> to vector<1x1x264xf32>
    tpu.vector_store %arg5[%swap3A_332, %swap3A_333, %swap3A_334], %swap3A_337 {strides = array<i32>} : memref<4x1x264xf32, #tpu.memory_space<vmem>>, vector<1x1x264xf32>,
    %jit3A_338 = arith.constant 0.000000e+00 : f32
    %broadcast_in_dim3A_339 = vector.broadcast %jit3A_338 : f32 to vector<1x264xf32>
    %select_n3A_340 = arith.select %and3A_296, %mul3A_331, %broadcast_in_dim3A_339 : vector<1x264xi1>, vector<1x264xf32>
    %dot_general3A_341 = arith.constant dense<0.000000e+00> : vector<1x1024xf32>
    %dot_general3A_342 = tpu.matmul %select_n3A_340, %get3A_261, %dot_general3A_341 {dimension_numbers = #tpu.dot_dimension_numbers<[1], [0], [0], [1], [0, 0, 1, 1], [], []>, transpose_lhs_hint = false} : vector<1x264xf32>, vector<264x1024xf32>, vector<1x1024xf32> -> vector<1x1024xf32>
    %swap3A_343 = arith.constant 3 : index
    %swap3A_344 = arith.constant 0 : index
    %swap3A_345 = arith.constant 0 : index
    %swap3A_346 = vector.load %arg6[%swap3A_343, %swap3A_344, %swap3A_345] : memref<4x1x1024xf32, #tpu.memory_space<vmem>>, vector<1x1x1024xf32>
    %swap3A_347 = vector.shape_cast %swap3A_346 : vector<1x1x1024xf32> to vector<1x1024xf32>
    %swap3A_348 = vector.shape_cast %dot_general3A_342 : vector<1x1024xf32> to vector<1x1x1024xf32>
    tpu.vector_store %arg6[%swap3A_343, %swap3A_344, %swap3A_345], %swap3A_348 {strides = array<i32>} : memref<4x1x1024xf32, #tpu.memory_space<vmem>>, vector<1x1x1024xf32>,
    return
  }
  func.func @transform_0(%arg0: i32) -> (i32, i32) {
    %c0_i32 = arith.constant 0 : i32
    %c0_i32_0 = arith.constant 0 : i32
    %c0_i32_1 = arith.constant 0 : i32
    return %c0_i32, %c0_i32_0 : i32, i32
  }
  func.func @transform_1(%arg0: i32) -> (i32, i32) {
    %c0_i32 = arith.constant 0 : i32
    %c0_i32_0 = arith.constant 0 : i32
    %c0_i32_1 = arith.constant 0 : i32
    return %c0_i32, %c0_i32_0 : i32, i32
  }
  func.func @transform_2(%arg0: i32) -> (i32, i32, i32) {
    %c0_i32 = arith.constant 0 : i32
    %c0_i32_0 = arith.constant 0 : i32
    %c0_i32_1 = arith.constant 0 : i32
    return %arg0, %c0_i32, %c0_i32_0 : i32, i32, i32
  }
  func.func @transform_3(%arg0: i32) -> (i32, i32, i32) {
    %c0_i32 = arith.constant 0 : i32
    %c0_i32_0 = arith.constant 0 : i32
    %c0_i32_1 = arith.constant 0 : i32
    return %arg0, %c0_i32, %c0_i32_0 : i32, i32, i32
  }
  func.func @transform_4(%arg0: i32) -> (i32, i32, i32) {
    %c0_i32 = arith.constant 0 : i32
    %c0_i32_0 = arith.constant 0 : i32
    %c0_i32_1 = arith.constant 0 : i32
    return %arg0, %c0_i32, %c0_i32_0 : i32, i32, i32
  }
  func.func @transform_5(%arg0: i32) -> (i32, i32, i32) {
    %c0_i32 = arith.constant 0 : i32
    %c0_i32_0 = arith.constant 0 : i32
    %c0_i32_1 = arith.constant 0 : i32
    return %arg0, %c0_i32, %c0_i32_0 : i32, i32, i32
  }
}

</mosaic_0001>

<sc_bundles>
// kernel: kernel.5.cloned.1.call-start
scs
__scs_entry_jumppad:
0x0: {  	(pc) =	sbr.rel $0x88, $3  }
0x1: {  	(tag) =	ssettag $0x0;
	lr =	simm.s32 $0x1  }
0x2: {  	[smem:$0x3F9B] =	sst lr;
	_ =	strace $0xD0000000  }
0x3: {  	_ = 	snop  }
0x4: {  	_ = 	snop  }
0x5: {  	_ = 	snop  }
0x6: {  	_ = 	snop  }
0x7: {  	_ = 	snop  }
__scs_overlays_trampoline_lowered:
0x8: {  	[smem:$0x3FAA] =	sst s0  }
0x9: {  	[smem:$0x3FAB] =	sst s1  }
0xa: {  	[smem:$0x3FAC] =	sst s2  }
0xb: {  	[smem:$0x3FAD] =	sst s3  }
0xc: {  	[smem:$0x3FAE] =	sst s4  }
0xd: {  	[smem:$0x3FAF] =	sst s5  }
0xe: {  	[smem:$0x3FB0] =	sst s6  }
0xf: {  	[smem:$0x3FB1] =	sst s7  }
0x10: {  	[smem:$0x3FB2] =	sst s8  }
0x11: {  	[smem:$0x3FB3] =	sst s9;
	s0 =	simm.s32 @!p0 $0x0  }
0x12: {  	s1 =	sld [smem:$0x3F99];
	s0 =	simm.s32 @p0 $0x1  }
0x13: {  	[smem:$0x3FB4] =	sst s0;
	s0 =	simm.s32 @!p1 $0x0  }
0x14: {  	s2 =	sld [smem:$0x3F98];
	s0 =	simm.s32 @p1 $0x1  }
0x15: {  	[smem:$0x3FB5] =	sst s0;
	s0 =	simm.s32 @!p2 $0x0  }
0x16: {  	s3 =	sld [smem:$0x3FDB];
	s0 =	simm.s32 @p2 $0x1  }
0x17: {  	s4 =	simm.s32 $0x1BF5;
	[smem:$0x3FB7] =	sst s0  }
0x18: {  	s0 =	sld [smem:$0x3F9A];
	_ =	swait.ge [sflag:s4], $0x0  }
0x19: {  	s7 =	sld [smem:$0x3F9B]  }
0x1a: {  	s8 =	sadd.s32 $0xFFFFE003, lr  }
0x1b: {  	s9 =	sadd.s32 $0xFFFFFEF7, lr;
	s5 =	simm.s32 $0xFFFFFFFF;
	p2 =	slt.u32 s8, $0xFFFFF086  }
0x1c: {  	p1 =	slt.u32 s9, $0xF7A;
	s5 =	simm.s32 @!p2 $0x0  }
0x1d: {  	s5 =	simm.s32 @p1 $0x1;
	p0 =	seq.s32 s7, s2  }
0x1e: {  	s7 =	smul.u32 @!p0 $0xF7A, s2;
	p2 =	seq.s32 @!p0 s5, $0x0  }
0x1f: {  	s9 =	smul.u32 $0xF7A, s1;
	s8 =	simm.s32 @!p0 $0x1BF5;
	p2 =	por !p2, p0  }
0x20: {  	[sflag:s8] =	ssyncset.s32 @!p0 $0xFFFFF086;
	s6 =	sadd.s32 @!p0 s3, s7;
	s7 =	simm.s32 @!p0 $0x108  }
0x21: {  	s3 =	sadd.s32 s3, s9;
	s6 =	sadd.s32 @!p0 $0x88, s6;
	s7 =	simm.s32 @p2 $0x1082  }
0x22: {  	[simem:s7], [sflag:s8] =	dma.local @!p0 [hbm:s6], $0xF7A  }
0x23: {  	s9 =	sor.u32 $0xD0000000, s2;
	s6 =	simm.s32 $0x108;
	_ =	swait.ge @!p0 [sflag:s8], $0x0  }
0x24: {  	s3 =	sadd.s32 $0x88, s3;
	s6 =	simm.s32 @!p1 $0x1082;
	[sflag:s4] =	ssyncset.s32 $0xFFFFF086  }
0x25: {  	[simem:s6], [sflag:s4] =	dma.local [hbm:s3], $0xF7A  }
0x26: {  	[smem:$0x3F9B] =	sst s1;
	(tag) =	ssettag s2;
	_ =	strace s9  }
0x27: {  	s1 =	sld [smem:$0x3FAB]  }
0x28: {  	s2 =	sld [smem:$0x3FAC]  }
0x29: {  	s4 =	sld [smem:$0x3FAE]  }
0x2a: {  	p0 =	seq.s32 s5, $0x0;
	s5 =	sld [smem:$0x3FAF]  }
0x2b: {  	s6 =	sld [smem:$0x3FB0]  }
0x2c: {  	s7 =	sld [smem:$0x3FB1]  }
0x2d: {  	s3 =	simm.s32 $0x108;
	s8 =	sld [smem:$0x3FB2]  }
0x2e: {  	s3 =	simm.s32 @!p0 $0x1082;
	s9 =	sld [smem:$0x3FB3]  }
0x2f: {  	lr =	sadd.s32 s0, s3;
	s0 =	sld [smem:$0x3FAA]  }
0x30: {  	s3 =	sld [smem:$0x3FAD]  }
0x31: {  	[smem:$0x3FB6] =	sst s10  }
0x32: {  	s10 =	sld [smem:$0x3FB4];
	_ =	sdelay $0x3  }
0x33: {  	p0 =	seq.s32 s10, $0x1;
	s10 =	sld [smem:$0x3FB6];
	_ =	sdelay $0x3  }
0x34: {  	[smem:$0x3FB6] =	sst s10  }
0x35: {  	s10 =	sld [smem:$0x3FB5];
	_ =	sdelay $0x3  }
0x36: {  	p1 =	seq.s32 s10, $0x1;
	s10 =	sld [smem:$0x3FB6];
	_ =	sdelay $0x3  }
0x37: {  	[smem:$0x3FB6] =	sst s10  }
0x38: {  	s10 =	sld [smem:$0x3FB7]  }
0x39: {  	_ = 	snop;
	(pc) =	sbr.ind lr, $3  }
0x3a: {  	_ = 	snop  }
0x3b: {  	_ = 	snop  }
0x3c: {  	p2 =	seq.s32 s10, $0x1;
	s10 =	sld [smem:$0x3FB6]  }
0x3d: {  	_ =	shalt  }
0x3e: {  	_ =	shalt  }
0x3f: {  	_ =	shalt  }
0x40: {  	_ =	shalt  }
0x41: {  	_ =	shalt  }
0x42: {  	_ =	shalt  }
0x43: {  	_ =	shalt  }
0x44: {  	_ =	shalt  }
0x45: {  	_ =	shalt  }
0x46: {  	_ =	shalt  }
0x47: {  	_ =	shalt  }
0x48: {  	_ =	shalt  }
0x49: {  	_ =	shalt  }
0x4a: {  	_ =	shalt  }
0x4b: {  	_ =	shalt  }
0x4c: {  	_ =	shalt  }
0x4d: {  	_ =	shalt  }
0x4e: {  	_ =	shalt  }
0x4f: {  	_ =	shalt  }
0x50: {  	_ =	shalt  }
0x51: {  	_ =	shalt  }
0x52: {  	_ =	shalt  }
0x53: {  	_ =	shalt  }
0x54: {  	_ =	shalt  }
0x55: {  	_ =	shalt  }
0x56: {  	_ =	shalt  }
0x57: {  	_ =	shalt  }
0x58: {  	_ =	shalt  }
0x59: {  	_ =	shalt  }
0x5a: {  	_ =	shalt  }
0x5b: {  	_ =	shalt  }
0x5c: {  	_ =	shalt  }
0x5d: {  	_ =	shalt  }
0x5e: {  	_ =	shalt  }
0x5f: {  	_ =	shalt  }
0x60: {  	_ =	shalt  }
0x61: {  	_ =	shalt  }
0x62: {  	_ =	shalt  }
0x63: {  	_ =	shalt  }
0x64: {  	_ =	shalt  }
0x65: {  	_ =	shalt  }
0x66: {  	_ =	shalt  }
0x67: {  	_ =	shalt  }
0x68: {  	_ =	shalt  }
0x69: {  	_ =	shalt  }
0x6a: {  	_ =	shalt  }
0x6b: {  	_ =	shalt  }
0x6c: {  	_ =	shalt  }
0x6d: {  	_ =	shalt  }
0x6e: {  	_ =	shalt  }
0x6f: {  	_ =	shalt  }
0x70: {  	_ =	shalt  }
0x71: {  	_ =	shalt  }
0x72: {  	_ =	shalt  }
0x73: {  	_ =	shalt  }
0x74: {  	_ =	shalt  }
0x75: {  	_ =	shalt  }
0x76: {  	_ =	shalt  }
0x77: {  	_ =	shalt  }
0x78: {  	_ =	shalt  }
0x79: {  	_ =	shalt  }
0x7a: {  	_ =	shalt  }
0x7b: {  	_ =	shalt  }
0x7c: {  	_ =	shalt  }
0x7d: {  	_ =	shalt  }
0x7e: {  	_ =	shalt  }
0x7f: {  	_ =	shalt  }
0x80: {  	_ =	shalt  }
0x81: {  	_ =	shalt  }
0x82: {  	_ =	shalt  }
0x83: {  	_ =	shalt  }
0x84: {  	_ =	shalt  }
0x85: {  	_ =	shalt  }
0x86: {  	_ =	shalt  }
0x87: {  	_ =	shalt  }
.Lfunc_end0:
.L_simem_size_0:
called_computation_lowered:
.L_overlay_start_0:
0x88: {  	s2 =	sld [smem:$0x3FD9]  }
0x89: {  	s3 =	sld [smem:$0x3FFE];
	_ =	sdelay $0x1  }
0x8a: {  	s1 =	srdreg.scid  }
0x8b: {  	s0 =	sand.u32 $0x1, s1  }
0x8c: {  	s14 =	sshll.u32 s0, $0xA;
	s2 =	sadd.s32 s3, s2  }
0x8d: {  	s2 =	sadd.s32 s2, s14  }
0x8e: {  	[smem:$0x3FC2] =	sst s2  }
0x8f: {  	_ = 	snop  }
0x90: {  	s2 =	sld [smem:$0x3FD0];
	_ =	sdelay $0x2  }
0x91: {  	s4 =	simm.s32 $0xA;
	s5 =	simm.s32 $0x10;
	s15 =	sld [smem:$0x3FC8]  }
0x92: {  	[smem:s5], [sflag:s4] =	dma.local [hbm:s2], $0x1  }
0x93: {  	_ =	swait.eq [sflag:s4], $0x1  }
0x94: {  	[sflag:s4] =	ssyncset.done $0x0  }
0x95: {  	[sflag:s4] =	ssyncadd.s32 $0xFFFFFFFF  }
0x96: {  	s16 =	sld [smem:$0x10];
	(tm) =	ssettm $0x1  }
0x97: {  	s17 =	sld [smem:$0x3FFB];
	_ =	sdelay $0x3  }
0x98: {  	_ =	strace s17  }
0x99: {  	s4 =	sld [smem:$0x3FFC];
	_ =	sdelay $0x3  }
0x9a: {  	_ =	strace s4  }
0x9b: {  	s4 =	sld [smem:$0x3FFD];
	_ =	sdelay $0x3  }
0x9c: {  	_ =	strace s4  }
0x9d: {  	_ =	strace $0x8FFFFFFF  }
0x9e: {  	s18 =	sld [smem:$0x3FDB];
	_ =	sdelay $0x1  }
0x9f: {  	s19 =	simm.s32 $_scs_section_size  }
0xa0: {  	s6 =	simm.s32 $_size__tile_overlayer_lowered;
	s7 =	simm.s32 $_tile_overlayer_lowered  }
0xa1: {  	s22 =	simm.s32 $0x1BFF;
	s21 =	sshll.u32 s7, $0x1;
	s4 =	sadd.s32 s19, s18  }
0xa2: {  	s8 =	simm.s32 $0x0;
	s20 =	sshll.u32 s6, $0x1;
	s6 =	sadd.s32 s21, s4  }
0xa3: {  	[timem:s8], [sflag:s22] =	dma.local [hbm:s6], s20  }
0xa4: {  	_ =	swait.ge [sflag:s22], s20  }
0xa5: {  	s5 =	ssub.s32 $0x0, s20;
	[sflag:s22] =	ssyncset.done $0x0  }
0xa6: {  	[sflag:s22] =	ssyncadd.s32 s5;
	_ =	sdelay $0x1  }
0xa7: {  	s23 =	simm.s32 $0x1B8B  }
0xa8: {  	_ =	swait.ge [sflag:s23], $0x1  }
0xa9: {  	[sflag:s23] =	ssyncset.done $0x0  }
0xaa: {  	s25 =	simm.s32 $0x1B8E;
	s24 =	sld [smem:$0x3FFE];
	[sflag:s23] =	ssyncadd.s32 $0xFFFFFFFF  }
0xab: {  	s26 =	simm.s32 $execute0_lowered;
	[smem:$0x3FD2] =	sst s25  }
0xac: {  	s6 =	sshll.u32 s26, $0x1;
	_ =	strace $0x80000046;
	[dreg:$0x1] =	wrdreg $0xFFFFFFFF  }
0xad: {  	s28 =	simm.s32 $_size_execute0_lowered;
	s4 =	sadd.s32 s4, s6;
	[dreg:$0x0] =	wrdreg $0x0  }
0xae: {  	s6 =	sshll.u32 s28, $0x1;
	[dreg:$0x2] =	wrdreg s4  }
0xaf: {  	[dreg:$0x3] =	wrdreg s6  }
0xb0: {  	[dreg:$0x4] =	wrdreg $0xC0  }
0xb1: {  	_ =	task [dreg:s8], $0x5FFFF  }
0xb2: {  	[dreg:$0x1] =	wrdreg $0xFFFFFFFF  }
0xb3: {  	[dreg:$0x0] =	wrdreg $0x60  }
0xb4: {  	[dreg:$0x2] =	wrdreg s16  }
0xb5: {  	[dreg:$0x3] =	wrdreg s15  }
0xb6: {  	[dreg:$0x4] =	wrdreg s24  }
0xb7: {  	[dreg:$0x5] =	wrdreg $0x9  }
0xb8: {  	_ =	task.clear_ibuf [dreg:s8], $0x6FFFF;
	_ =	strace $0x90000046  }
0xb9: {  	s29 =	simm.s32 $0x9;
	_ =	strace $0x80000048  }
0xba: {  	_ =	swait.ge [sflag:s29], $0x1  }
0xbb: {  	[sflag:s29] =	ssyncadd.s32 $0xFFFFFFFF  }
0xbc: {  	_ =	strace $0x90000048  }
0xbd: {  	_ =	sfence  }
0xbe: {  	s30 =	sld [smem:$0x0];
	_ =	sdelay $0x2  }
0xbf: {  	s31 =	sshll.u32 s1, $0xD;
	s1 =	sshrl.u32 s1, $0x2  }
0xc0: {  	s3 =	sand.u32 $0x4000, s31;
	s1 =	sadd.s32 s1, s30  }
0xc1: {  	s0 =	sor.u32 s3, s0;
	s1 =	sshll.u32 s1, $0x11  }
0xc2: {  	s0 =	sor.u32 s1, s0  }
0xc3: {  	s0 =	sadd.s32 $0x8F2B, s0  }
0xc4: {  	[sflag:s0] =	ssyncadd.remote.s32 $0x1  }
0xc5: {  	_ =	sfence.sel $0xFFFF  }
0xc6: {  	[dreg:$0x0] =	wrdreg $0xFFFFFFFF;
	(pc) =	sbr.abs _section_cstart, $3  }
0xc7: {  	[dreg:$0x1] =	wrdreg $0xFFFFFFFF  }
0xc8: {  	_ =	task.clear_ibuf [dreg:s8], $0x2FFFF;
	_ =	strace $0x9FFFFFFF  }
0xc9: {  	(tm) =	ssettm $0x7FFFFFFF  }
tec
execute0_lowered:
.L_overlay_start_1:
0x0: {  	(tag) =	ssettag $0x1  }
0x1: {  	s0 =	rddreg [dreg:$0x0];
	s1 =	srdreg.scid  }
0x2: {  	s3 =	stileid.u32;
	s2 =	rddreg [dreg:$0x1]  }
0x3: {  	s4 =	rddreg [dreg:$0x2];
	s28 =	simm.s32 $0x3;
	s29 =	simm.s32 $0x7  }
0x4: {  	s31 =	simm.s32 $0x8;
	s1 =	sand.u32 $0x1, s1;
	s3 =	sshll.u32 s3, $0x1  }
0x5: {  	s8 =	simm.s32 $0x6180;
	s9 =	simm.s32 $0x12180;
	s5 =	sor.u32 s1, s3  }
0x6: {  	s30 =	simm.s32 $0x12980;
	s10 =	simm.s32 $0x13980;
	s6 =	smul.u32 $0x21, s5  }
0x7: {  	s11 =	simm.s32 $0x14180;
	s3 =	simm.s32 $0x0;
	s7 =	smul.u32 $0x42000, s5  }
0x8: {  	s4 =	sadd.s32 $0x1C00, s4;
	[smem:$0x7FF] =	sst s3;
	s5 =	smul.u32 $0x8400, s5  }
0x9: {  	_ =	strace $0x80000047;
	s0 =	sadd.s32 s0, s6;
	s14 =	sshrl.u32 s7, $0x3  }
0xa: {  	s15 =	sadd.s32 s4, s5;
	[dreg:$0x4] =	wrdreg s0;
	s6 =	sadd.s32 s4, s14  }
0xb: {  	s12 =	simm.s32 $0x14980;
	[dreg:$0x5] =	wrdreg s15;
	s16 =	sadd.s32 $0xC00, s6  }
0xc: {  	s13 =	simm.s32 $0x15180;
	s17 =	sadd.s32 $0x1800, s6;
	[dreg:$0x6] =	wrdreg s16  }
0xd: {  	s1 =	ssub.s32 $0x2, s1;
	s18 =	sadd.s32 $0x2400, s6;
	[dreg:$0x7] =	wrdreg s17  }
0xe: {  	s22 =	sshrl.u32 s1, $0x1;
	s19 =	sadd.s32 $0x3000, s6;
	[dreg:$0x8] =	wrdreg s18  }
0xf: {  	s1 =	ssub.s32 s1, s22;
	s20 =	sadd.s32 $0x3C00, s6;
	[dreg:$0x9] =	wrdreg s19  }
0x10: {  	s22 =	simm.s32 $0x13180;
	s21 =	sadd.s32 $0x4800, s6;
	[dreg:$0xa] =	wrdreg s20  }
0x11: {  	s5 =	sadd.s32 $0x200, s2;
	s23 =	sadd.s32 $0x5400, s6;
	[dreg:$0xb] =	wrdreg s21  }
0x12: {  	s7 =	smax.u32 s1, $0x1;
	s24 =	sadd.s32 $0x6000, s6;
	[dreg:$0xc] =	wrdreg s23  }
0x13: {  	s4 =	sadd.s32 $0x100, s2;
	s25 =	sadd.s32 $0x6C00, s6;
	[dreg:$0xd] =	wrdreg s24  }
0x14: {  	s14 =	simm.s32 $0x15980;
	s26 =	sadd.s32 $0x7800, s6;
	[dreg:$0xe] =	wrdreg s25  }
0x15: {  	s15 =	simm.s32 $0x16180;
	s6 =	sadd.s32 $0x300, s2;
	[dreg:$0xf] =	wrdreg s26  }
0x16: {  	v2 =	vlaneseq.u32;
	s23 =	simm.s32 $0x1;
	s24 =	simm.s32 $0x5;
	s25 =	simm.s32 $0x2  }
0x17: {  	vm0 =	vmmov $0xffff;
	v1 =	vshrl.u32 v2, $0x3;
	s26 =	simm.s32 $0x6;
	s19 =	simm.s32 $0x4;
	s21 =	simm.s32 $0x180  }
0x18: {  	v0 =	vand.u32 $0x7, v2;
	v2 =	vor.u32 $0x8, v2;
	v1 =	vmul.u32 $0x8, v1;
	s16 =	simm.s32 $0x16980;
	s17 =	simm.s32 $0x17180;
	s18 =	simm.s32 $0x17980  }
.LBB2_1:
0x19: {  	s1 =	rddreg [dreg:$0x4];
	s0 =	simm.s32 $0x9  }
0x1a: {  	[tilespmem:s3], [sflag:$0x9] =	stream.linear.gather [hbm4b:s1+s3], $0x108, $0x38;
	[tilespmem:$0x18180] =	vst v63  }
0x1b: {  	_ =	swait.ge [sflag:s0], $0x108  }
0x1c: {  	[sflag:s0] =	ssyncset.done $0x0  }
0x1d: {  	[sflag:s0] =	ssyncadd.s32 $0xFFFFFEF8  }
0x1e: {  	v3 =	vld [tilespmem:$0x0];
	_ =	sdelay $0x4  }
0x1f: {  	v4 =	vshll.u32 v3, $0x3  }
0x20: {  	v3 =	vand.u32 $0x7, v3;
	v4 =	vand.u32 $0xFFFFFFC0, v4  }
0x21: {  	v3 =	vor.u32 v3, v4  }
0x22: {  	v4 =	vperm.xlane v3, v0;
	_ =	sdelay $0x1  }
0x23: {  	v4 =	vadd.s32 v1, v4;
	_ =	sdelay $0x4  }
0x24: {  	[tilespmem:s21], [sflag:$0x1] =	stream.indirect_vreg.gather [hbm4b:s2+s3], $0x80, v4, vm0, $0xb8;
	[tilespmem:$0x18180] =	vst v63  }
0x25: {  	s0 =	simm.s32 $0x980;
	v3 =	vperm.xlane v3, v2  }
0x26: {  	[tilespmem:s0], [sflag:$0x1] =	stream.indirect_vreg.gather [hbm4b:s4+s3], $0x80, v4, vm0, $0xb8;
	[tilespmem:$0x18180] =	vst v63  }
0x27: {  	s1 =	simm.s32 $0x1180;
	v3 =	vadd.s32 v1, v3  }
0x28: {  	[tilespmem:s1], [sflag:$0x1] =	stream.indirect_vreg.gather [hbm4b:s5+s3], $0x80, v4, vm0, $0xb8;
	[tilespmem:$0x18180] =	vst v63  }
0x29: {  	s20 =	simm.s32 $0x1980  }
0x2a: {  	[tilespmem:s20], [sflag:$0x1] =	stream.indirect_vreg.gather [hbm4b:s6+s3], $0x80, v4, vm0, $0xb8;
	[tilespmem:$0x18180] =	vst v63  }
0x2b: {  	s1 =	simm.s32 $0x2180  }
0x2c: {  	[tilespmem:s1], [sflag:$0x1] =	stream.indirect_vreg.gather [hbm4b:s2+s3], $0x80, v3, vm0, $0xb8;
	[tilespmem:$0x18180] =	vst v63  }
0x2d: {  	s20 =	simm.s32 $0x2980  }
0x2e: {  	[tilespmem:s20], [sflag:$0x1] =	stream.indirect_vreg.gather [hbm4b:s4+s3], $0x80, v3, vm0, $0xb8;
	[tilespmem:$0x18180] =	vst v63  }
0x2f: {  	s1 =	simm.s32 $0x3180  }
0x30: {  	[tilespmem:s1], [sflag:$0x1] =	stream.indirect_vreg.gather [hbm4b:s5+s3], $0x80, v3, vm0, $0xb8;
	[tilespmem:$0x18180] =	vst v63  }
0x31: {  	s20 =	simm.s32 $0x3980  }
0x32: {  	[tilespmem:s20], [sflag:$0x1] =	stream.indirect_vreg.gather [hbm4b:s6+s3], $0x80, v3, vm0, $0xb8;
	[tilespmem:$0x18180] =	vst v63  }
0x33: {  	v3 =	vld.msk [tilespmem:$0x10], $0xff;
	_ =	sdelay $0x4  }
0x34: {  	v43 =	vshll.u32 v3, $0x3  }
0x35: {  	v3 =	vand.u32 $0x7, v3;
	v4 =	vand.u32 $0xFFFFFFC0, v43  }
0x36: {  	v3 =	vor.u32 v3, v4  }
0x37: {  	v3 =	vperm.xlane v3, v0;
	_ =	sdelay $0x1  }
0x38: {  	v3 =	vadd.s32 v1, v3;
	_ =	sdelay $0x3  }
0x39: {  	s1 =	simm.s32 $0x4180  }
0x3a: {  	[tilespmem:s1], [sflag:$0x1] =	stream.indirect_vreg.gather [hbm4b:s2+s3], $0x80, v3, vm0, $0xb8;
	[tilespmem:$0x18180] =	vst v63  }
0x3b: {  	s1 =	simm.s32 $0x4980  }
0x3c: {  	[tilespmem:s1], [sflag:$0x1] =	stream.indirect_vreg.gather [hbm4b:s4+s3], $0x80, v3, vm0, $0xb8;
	[tilespmem:$0x18180] =	vst v63  }
0x3d: {  	s1 =	simm.s32 $0x5180  }
0x3e: {  	[tilespmem:s1], [sflag:$0x1] =	stream.indirect_vreg.gather [hbm4b:s5+s3], $0x80, v3, vm0, $0xb8;
	[tilespmem:$0x18180] =	vst v63  }
0x3f: {  	s1 =	simm.s32 $0x5980  }
0x40: {  	[tilespmem:s1], [sflag:$0x1] =	stream.indirect_vreg.gather [hbm4b:s6+s3], $0x80, v3, vm0, $0xb8;
	[tilespmem:$0x18180] =	vst v63  }
0x41: {  	v3 =	vld [tilespmem:$0x18];
	_ =	sdelay $0x4  }
0x42: {  	v44 =	vshll.u32 v3, $0x3  }
0x43: {  	v3 =	vand.u32 $0x7, v3;
	v4 =	vand.u32 $0xFFFFFFC0, v44  }
0x44: {  	v3 =	vor.u32 v3, v4  }
0x45: {  	v4 =	vperm.xlane v3, v0;
	_ =	sdelay $0x1  }
0x46: {  	v4 =	vadd.s32 v1, v4;
	_ =	sdelay $0x4  }
0x47: {  	[tilespmem:s8], [sflag:$0x2] =	stream.indirect_vreg.gather [hbm4b:s2+s3], $0x80, v4, vm0, $0xb8;
	[tilespmem:$0x18180] =	vst v63  }
0x48: {  	s1 =	simm.s32 $0x6980;
	v3 =	vperm.xlane v3, v2  }
0x49: {  	[tilespmem:s1], [sflag:$0x2] =	stream.indirect_vreg.gather [hbm4b:s4+s3], $0x80, v4, vm0, $0xb8;
	[tilespmem:$0x18180] =	vst v63  }
0x4a: {  	v3 =	vadd.s32 v1, v3;
	s1 =	simm.s32 $0x7180  }
0x4b: {  	[tilespmem:s1], [sflag:$0x2] =	stream.indirect_vreg.gather [hbm4b:s5+s3], $0x80, v4, vm0, $0xb8;
	[tilespmem:$0x18180] =	vst v63  }
0x4c: {  	s1 =	simm.s32 $0x7980  }
0x4d: {  	[tilespmem:s1], [sflag:$0x2] =	stream.indirect_vreg.gather [hbm4b:s6+s3], $0x80, v4, vm0, $0xb8;
	[tilespmem:$0x18180] =	vst v63  }
0x4e: {  	s1 =	simm.s32 $0x8180  }
0x4f: {  	[tilespmem:s1], [sflag:$0x2] =	stream.indirect_vreg.gather [hbm4b:s2+s3], $0x80, v3, vm0, $0xb8;
	[tilespmem:$0x18180] =	vst v63  }
0x50: {  	s1 =	simm.s32 $0x8980  }
0x51: {  	[tilespmem:s1], [sflag:$0x2] =	stream.indirect_vreg.gather [hbm4b:s4+s3], $0x80, v3, vm0, $0xb8;
	[tilespmem:$0x18180] =	vst v63  }
0x52: {  	s1 =	simm.s32 $0x9180  }
0x53: {  	[tilespmem:s1], [sflag:$0x2] =	stream.indirect_vreg.gather [hbm4b:s5+s3], $0x80, v3, vm0, $0xb8;
	[tilespmem:$0x18180] =	vst v63  }
0x54: {  	s1 =	simm.s32 $0x9980  }
0x55: {  	[tilespmem:s1], [sflag:$0x2] =	stream.indirect_vreg.gather [hbm4b:s6+s3], $0x80, v3, vm0, $0xb8;
	[tilespmem:$0x18180] =	vst v63  }
0x56: {  	v3 =	vld.msk [tilespmem:$0x28], $0xff;
	_ =	sdelay $0x4  }
0x57: {  	v45 =	vshll.u32 v3, $0x3  }
0x58: {  	v3 =	vand.u32 $0x7, v3;
	v4 =	vand.u32 $0xFFFFFFC0, v45  }
0x59: {  	v3 =	vor.u32 v3, v4  }
0x5a: {  	v3 =	vperm.xlane v3, v0;
	_ =	sdelay $0x1  }
0x5b: {  	v3 =	vadd.s32 v1, v3;
	_ =	sdelay $0x3  }
0x5c: {  	s1 =	simm.s32 $0xA180  }
0x5d: {  	[tilespmem:s1], [sflag:$0x2] =	stream.indirect_vreg.gather [hbm4b:s2+s3], $0x80, v3, vm0, $0xb8;
	[tilespmem:$0x18180] =	vst v63  }
0x5e: {  	s1 =	simm.s32 $0xA980  }
0x5f: {  	[tilespmem:s1], [sflag:$0x2] =	stream.indirect_vreg.gather [hbm4b:s4+s3], $0x80, v3, vm0, $0xb8;
	[tilespmem:$0x18180] =	vst v63  }
0x60: {  	s1 =	simm.s32 $0xB180  }
0x61: {  	[tilespmem:s1], [sflag:$0x2] =	stream.indirect_vreg.gather [hbm4b:s5+s3], $0x80, v3, vm0, $0xb8;
	[tilespmem:$0x18180] =	vst v63  }
0x62: {  	s1 =	simm.s32 $0xB980  }
0x63: {  	[tilespmem:s1], [sflag:$0x2] =	stream.indirect_vreg.gather [hbm4b:s6+s3], $0x80, v3, vm0, $0xb8;
	[tilespmem:$0x18180] =	vst v63  }
0x64: {  	v3 =	vld [tilespmem:$0x30];
	_ =	sdelay $0x4  }
0x65: {  	v46 =	vshll.u32 v3, $0x3  }
0x66: {  	v3 =	vand.u32 $0x7, v3;
	v4 =	vand.u32 $0xFFFFFFC0, v46  }
0x67: {  	v3 =	vor.u32 v3, v4  }
0x68: {  	v4 =	vperm.xlane v3, v0;
	_ =	sdelay $0x1  }
0x69: {  	v4 =	vadd.s32 v1, v4;
	_ =	sdelay $0x3  }
0x6a: {  	s0 =	simm.s32 $0xC180  }
0x6b: {  	[tilespmem:s0], [sflag:$0x3] =	stream.indirect_vreg.gather [hbm4b:s2+s3], $0x80, v4, vm0, $0xb8;
	[tilespmem:$0x18180] =	vst v63  }
0x6c: {  	s1 =	simm.s32 $0xC980;
	v3 =	vperm.xlane v3, v2  }
0x6d: {  	[tilespmem:s1], [sflag:$0x3] =	stream.indirect_vreg.gather [hbm4b:s4+s3], $0x80, v4, vm0, $0xb8;
	[tilespmem:$0x18180] =	vst v63  }
0x6e: {  	v3 =	vadd.s32 v1, v3;
	s1 =	simm.s32 $0xD180  }
0x6f: {  	[tilespmem:s1], [sflag:$0x3] =	stream.indirect_vreg.gather [hbm4b:s5+s3], $0x80, v4, vm0, $0xb8;
	[tilespmem:$0x18180] =	vst v63  }
0x70: {  	s1 =	simm.s32 $0xD980  }
0x71: {  	[tilespmem:s1], [sflag:$0x3] =	stream.indirect_vreg.gather [hbm4b:s6+s3], $0x80, v4, vm0, $0xb8;
	[tilespmem:$0x18180] =	vst v63  }
0x72: {  	s1 =	simm.s32 $0xE180  }
0x73: {  	[tilespmem:s1], [sflag:$0x3] =	stream.indirect_vreg.gather [hbm4b:s2+s3], $0x80, v3, vm0, $0xb8;
	[tilespmem:$0x18180] =	vst v63  }
0x74: {  	s1 =	simm.s32 $0xE980  }
0x75: {  	[tilespmem:s1], [sflag:$0x3] =	stream.indirect_vreg.gather [hbm4b:s4+s3], $0x80, v3, vm0, $0xb8;
	[tilespmem:$0x18180] =	vst v63  }
0x76: {  	s1 =	simm.s32 $0xF180  }
0x77: {  	[tilespmem:s1], [sflag:$0x3] =	stream.indirect_vreg.gather [hbm4b:s5+s3], $0x80, v3, vm0, $0xb8;
	[tilespmem:$0x18180] =	vst v63  }
0x78: {  	s1 =	simm.s32 $0xF980  }
0x79: {  	[tilespmem:s1], [sflag:$0x3] =	stream.indirect_vreg.gather [hbm4b:s6+s3], $0x80, v3, vm0, $0xb8;
	[tilespmem:$0x18180] =	vst v63  }
0x7a: {  	v3 =	vld.msk [tilespmem:$0x40], $0xff;
	_ =	sdelay $0x4  }
0x7b: {  	v47 =	vshll.u32 v3, $0x3  }
0x7c: {  	v3 =	vand.u32 $0x7, v3;
	v4 =	vand.u32 $0xFFFFFFC0, v47  }
0x7d: {  	v3 =	vor.u32 v3, v4  }
0x7e: {  	v3 =	vperm.xlane v3, v0;
	_ =	sdelay $0x1  }
0x7f: {  	v3 =	vadd.s32 v1, v3;
	_ =	sdelay $0x3  }
0x80: {  	s1 =	simm.s32 $0x10180  }
0x81: {  	[tilespmem:s1], [sflag:$0x3] =	stream.indirect_vreg.gather [hbm4b:s2+s3], $0x80, v3, vm0, $0xb8;
	[tilespmem:$0x18180] =	vst v63  }
0x82: {  	s1 =	simm.s32 $0x10980  }
0x83: {  	[tilespmem:s1], [sflag:$0x3] =	stream.indirect_vreg.gather [hbm4b:s4+s3], $0x80, v3, vm0, $0xb8;
	[tilespmem:$0x18180] =	vst v63  }
0x84: {  	s1 =	simm.s32 $0x11180  }
0x85: {  	[tilespmem:s1], [sflag:$0x3] =	stream.indirect_vreg.gather [hbm4b:s5+s3], $0x80, v3, vm0, $0xb8;
	[tilespmem:$0x18180] =	vst v63  }
0x86: {  	s1 =	simm.s32 $0x11980  }
0x87: {  	[tilespmem:s1], [sflag:$0x3] =	stream.indirect_vreg.gather [hbm4b:s6+s3], $0x80, v3, vm0, $0xb8;
	[tilespmem:$0x18180] =	vst v63  }
0x88: {  	v3 =	vld [tilespmem:$0x48];
	_ =	sdelay $0x4  }
0x89: {  	v48 =	vshll.u32 v3, $0x3  }
0x8a: {  	v3 =	vand.u32 $0x7, v3;
	v4 =	vand.u32 $0xFFFFFFC0, v48  }
0x8b: {  	v3 =	vor.u32 v3, v4  }
0x8c: {  	v4 =	vperm.xlane v3, v0;
	_ =	sdelay $0x1  }
0x8d: {  	v4 =	vadd.s32 v1, v4;
	_ =	sdelay $0x4  }
0x8e: {  	[tilespmem:s9], [sflag:$0x4] =	stream.indirect_vreg.gather [hbm4b:s2+s3], $0x80, v4, vm0, $0xb8;
	[tilespmem:$0x18180] =	vst v63  }
0x8f: {  	v3 =	vperm.xlane v3, v2  }
0x90: {  	[tilespmem:s30], [sflag:$0x4] =	stream.indirect_vreg.gather [hbm4b:s4+s3], $0x80, v4, vm0, $0xb8;
	[tilespmem:$0x18180] =	vst v63  }
0x91: {  	v3 =	vadd.s32 v1, v3  }
0x92: {  	[tilespmem:s22], [sflag:$0x4] =	stream.indirect_vreg.gather [hbm4b:s5+s3], $0x80, v4, vm0, $0xb8;
	[tilespmem:$0x18180] =	vst v63  }
0x93: {  	_ = 	snop  }
0x94: {  	[tilespmem:s10], [sflag:$0x4] =	stream.indirect_vreg.gather [hbm4b:s6+s3], $0x80, v4, vm0, $0xb8;
	[tilespmem:$0x18180] =	vst v63  }
0x95: {  	_ = 	snop  }
0x96: {  	[tilespmem:s11], [sflag:$0x4] =	stream.indirect_vreg.gather [hbm4b:s2+s3], $0x80, v3, vm0, $0xb8;
	[tilespmem:$0x18180] =	vst v63  }
0x97: {  	_ = 	snop  }
0x98: {  	[tilespmem:s12], [sflag:$0x4] =	stream.indirect_vreg.gather [hbm4b:s4+s3], $0x80, v3, vm0, $0xb8;
	[tilespmem:$0x18180] =	vst v63  }
0x99: {  	_ = 	snop  }
0x9a: {  	[tilespmem:s13], [sflag:$0x4] =	stream.indirect_vreg.gather [hbm4b:s5+s3], $0x80, v3, vm0, $0xb8;
	[tilespmem:$0x18180] =	vst v63  }
0x9b: {  	_ = 	snop  }
0x9c: {  	[tilespmem:s14], [sflag:$0x4] =	stream.indirect_vreg.gather [hbm4b:s6+s3], $0x80, v3, vm0, $0xb8;
	[tilespmem:$0x18180] =	vst v63  }
0x9d: {  	v3 =	vld.msk [tilespmem:$0x58], $0xff;
	_ =	sdelay $0x4  }
0x9e: {  	v49 =	vshll.u32 v3, $0x3  }
0x9f: {  	v3 =	vand.u32 $0x7, v3;
	v4 =	vand.u32 $0xFFFFFFC0, v49  }
0xa0: {  	v3 =	vor.u32 v3, v4  }
0xa1: {  	v3 =	vperm.xlane v3, v0;
	_ =	sdelay $0x1  }
0xa2: {  	v3 =	vadd.s32 v1, v3;
	_ =	sdelay $0x4  }
0xa3: {  	[tilespmem:s15], [sflag:$0x4] =	stream.indirect_vreg.gather [hbm4b:s2+s3], $0x80, v3, vm0, $0xb8;
	[tilespmem:$0x18180] =	vst v63  }
0xa4: {  	_ = 	snop  }
0xa5: {  	[tilespmem:s16], [sflag:$0x4] =	stream.indirect_vreg.gather [hbm4b:s4+s3], $0x80, v3, vm0, $0xb8;
	[tilespmem:$0x18180] =	vst v63  }
0xa6: {  	_ = 	snop  }
0xa7: {  	[tilespmem:s17], [sflag:$0x4] =	stream.indirect_vreg.gather [hbm4b:s5+s3], $0x80, v3, vm0, $0xb8;
	[tilespmem:$0x18180] =	vst v63  }
0xa8: {  	_ = 	snop  }
0xa9: {  	[tilespmem:s18], [sflag:$0x4] =	stream.indirect_vreg.gather [hbm4b:s6+s3], $0x80, v3, vm0, $0xb8;
	[tilespmem:$0x18180] =	vst v63  }
0xaa: {  	_ =	swait.ge [sflag:s23], $0x6000  }
0xab: {  	[sflag:s23] =	ssyncset.done $0x0  }
0xac: {  	s1 =	rddreg [dreg:$0x5];
	[sflag:s23] =	ssyncadd.s32 $0xFFFFA000  }
0xad: {  	[hbm4b:s1+s3] =	stream.linear.scatter [tilespmem:s21], [sflag:$0x5], $0x6000, $0x38;
	[tilespmem:$0x18180] =	vst v63  }
0xae: {  	_ =	swait.ge [sflag:s24], $0x6000  }
0xaf: {  	[sflag:s24] =	ssyncset.done $0x0  }
0xb0: {  	[sflag:s24] =	ssyncadd.s32 $0xFFFFA000  }
0xb1: {  	v3 =	vld [tilespmem:$0x60];
	_ =	sdelay $0x4  }
0xb2: {  	v50 =	vshll.u32 v3, $0x3  }
0xb3: {  	v3 =	vand.u32 $0x7, v3;
	v4 =	vand.u32 $0xFFFFFFC0, v50  }
0xb4: {  	v3 =	vor.u32 v3, v4  }
0xb5: {  	v4 =	vperm.xlane v3, v0;
	_ =	sdelay $0x1  }
0xb6: {  	v4 =	vadd.s32 v1, v4;
	_ =	sdelay $0x4  }
0xb7: {  	[tilespmem:s21], [sflag:$0x1] =	stream.indirect_vreg.gather [hbm4b:s2+s3], $0x80, v4, vm0, $0xb8;
	[tilespmem:$0x18180] =	vst v63  }
0xb8: {  	s1 =	simm.s32 $0x980;
	v3 =	vperm.xlane v3, v2  }
0xb9: {  	[tilespmem:s1], [sflag:$0x1] =	stream.indirect_vreg.gather [hbm4b:s4+s3], $0x80, v4, vm0, $0xb8;
	[tilespmem:$0x18180] =	vst v63  }
0xba: {  	v3 =	vadd.s32 v1, v3;
	s1 =	simm.s32 $0x1180  }
0xbb: {  	[tilespmem:s1], [sflag:$0x1] =	stream.indirect_vreg.gather [hbm4b:s5+s3], $0x80, v4, vm0, $0xb8;
	[tilespmem:$0x18180] =	vst v63  }
0xbc: {  	s1 =	simm.s32 $0x1980  }
0xbd: {  	[tilespmem:s1], [sflag:$0x1] =	stream.indirect_vreg.gather [hbm4b:s6+s3], $0x80, v4, vm0, $0xb8;
	[tilespmem:$0x18180] =	vst v63  }
0xbe: {  	s1 =	simm.s32 $0x2180  }
0xbf: {  	[tilespmem:s1], [sflag:$0x1] =	stream.indirect_vreg.gather [hbm4b:s2+s3], $0x80, v3, vm0, $0xb8;
	[tilespmem:$0x18180] =	vst v63  }
0xc0: {  	s1 =	simm.s32 $0x2980  }
0xc1: {  	[tilespmem:s1], [sflag:$0x1] =	stream.indirect_vreg.gather [hbm4b:s4+s3], $0x80, v3, vm0, $0xb8;
	[tilespmem:$0x18180] =	vst v63  }
0xc2: {  	s1 =	simm.s32 $0x3180  }
0xc3: {  	[tilespmem:s1], [sflag:$0x1] =	stream.indirect_vreg.gather [hbm4b:s5+s3], $0x80, v3, vm0, $0xb8;
	[tilespmem:$0x18180] =	vst v63  }
0xc4: {  	s20 =	simm.s32 $0x3980  }
0xc5: {  	[tilespmem:s20], [sflag:$0x1] =	stream.indirect_vreg.gather [hbm4b:s6+s3], $0x80, v3, vm0, $0xb8;
	[tilespmem:$0x18180] =	vst v63  }
0xc6: {  	v3 =	vld.msk [tilespmem:$0x70], $0xff;
	_ =	sdelay $0x4  }
0xc7: {  	v51 =	vshll.u32 v3, $0x3  }
0xc8: {  	v3 =	vand.u32 $0x7, v3;
	v4 =	vand.u32 $0xFFFFFFC0, v51  }
0xc9: {  	v3 =	vor.u32 v3, v4  }
0xca: {  	v3 =	vperm.xlane v3, v0;
	_ =	sdelay $0x1  }
0xcb: {  	v3 =	vadd.s32 v1, v3;
	_ =	sdelay $0x3  }
0xcc: {  	s20 =	simm.s32 $0x4180  }
0xcd: {  	[tilespmem:s20], [sflag:$0x1] =	stream.indirect_vreg.gather [hbm4b:s2+s3], $0x80, v3, vm0, $0xb8;
	[tilespmem:$0x18180] =	vst v63  }
0xce: {  	s20 =	simm.s32 $0x4980  }
0xcf: {  	[tilespmem:s20], [sflag:$0x1] =	stream.indirect_vreg.gather [hbm4b:s4+s3], $0x80, v3, vm0, $0xb8;
	[tilespmem:$0x18180] =	vst v63  }
0xd0: {  	s20 =	simm.s32 $0x5180  }
0xd1: {  	[tilespmem:s20], [sflag:$0x1] =	stream.indirect_vreg.gather [hbm4b:s5+s3], $0x80, v3, vm0, $0xb8;
	[tilespmem:$0x18180] =	vst v63  }
0xd2: {  	s20 =	simm.s32 $0x5980  }
0xd3: {  	[tilespmem:s20], [sflag:$0x1] =	stream.indirect_vreg.gather [hbm4b:s6+s3], $0x80, v3, vm0, $0xb8;
	[tilespmem:$0x18180] =	vst v63  }
0xd4: {  	_ =	swait.ge [sflag:s25], $0x6000  }
0xd5: {  	[sflag:s25] =	ssyncset.done $0x0  }
0xd6: {  	s1 =	rddreg [dreg:$0x6];
	[sflag:s25] =	ssyncadd.s32 $0xFFFFA000  }
0xd7: {  	[hbm4b:s1+s3] =	stream.linear.scatter [tilespmem:s8], [sflag:$0x6], $0x6000, $0x38;
	[tilespmem:$0x18180] =	vst v63  }
0xd8: {  	_ =	swait.ge [sflag:s26], $0x6000  }
0xd9: {  	[sflag:s26] =	ssyncset.done $0x0  }
0xda: {  	[sflag:s26] =	ssyncadd.s32 $0xFFFFA000  }
0xdb: {  	v3 =	vld [tilespmem:$0x78];
	_ =	sdelay $0x4  }
0xdc: {  	v52 =	vshll.u32 v3, $0x3  }
0xdd: {  	v3 =	vand.u32 $0x7, v3;
	v4 =	vand.u32 $0xFFFFFFC0, v52  }
0xde: {  	v3 =	vor.u32 v3, v4  }
0xdf: {  	v4 =	vperm.xlane v3, v0;
	_ =	sdelay $0x1  }
0xe0: {  	v4 =	vadd.s32 v1, v4;
	_ =	sdelay $0x4  }
0xe1: {  	[tilespmem:s8], [sflag:$0x2] =	stream.indirect_vreg.gather [hbm4b:s2+s3], $0x80, v4, vm0, $0xb8;
	[tilespmem:$0x18180] =	vst v63  }
0xe2: {  	s1 =	simm.s32 $0x6980;
	v3 =	vperm.xlane v3, v2  }
0xe3: {  	[tilespmem:s1], [sflag:$0x2] =	stream.indirect_vreg.gather [hbm4b:s4+s3], $0x80, v4, vm0, $0xb8;
	[tilespmem:$0x18180] =	vst v63  }
0xe4: {  	v3 =	vadd.s32 v1, v3;
	s1 =	simm.s32 $0x7180  }
0xe5: {  	[tilespmem:s1], [sflag:$0x2] =	stream.indirect_vreg.gather [hbm4b:s5+s3], $0x80, v4, vm0, $0xb8;
	[tilespmem:$0x18180] =	vst v63  }
0xe6: {  	s1 =	simm.s32 $0x7980  }
0xe7: {  	[tilespmem:s1], [sflag:$0x2] =	stream.indirect_vreg.gather [hbm4b:s6+s3], $0x80, v4, vm0, $0xb8;
	[tilespmem:$0x18180] =	vst v63  }
0xe8: {  	s1 =	simm.s32 $0x8180  }
0xe9: {  	[tilespmem:s1], [sflag:$0x2] =	stream.indirect_vreg.gather [hbm4b:s2+s3], $0x80, v3, vm0, $0xb8;
	[tilespmem:$0x18180] =	vst v63  }
0xea: {  	s1 =	simm.s32 $0x8980  }
0xeb: {  	[tilespmem:s1], [sflag:$0x2] =	stream.indirect_vreg.gather [hbm4b:s4+s3], $0x80, v3, vm0, $0xb8;
	[tilespmem:$0x18180] =	vst v63  }
0xec: {  	s1 =	simm.s32 $0x9180  }
0xed: {  	[tilespmem:s1], [sflag:$0x2] =	stream.indirect_vreg.gather [hbm4b:s5+s3], $0x80, v3, vm0, $0xb8;
	[tilespmem:$0x18180] =	vst v63  }
0xee: {  	s1 =	simm.s32 $0x9980  }
0xef: {  	[tilespmem:s1], [sflag:$0x2] =	stream.indirect_vreg.gather [hbm4b:s6+s3], $0x80, v3, vm0, $0xb8;
	[tilespmem:$0x18180] =	vst v63  }
0xf0: {  	v3 =	vld.msk [tilespmem:$0x88], $0xff;
	_ =	sdelay $0x4  }
0xf1: {  	v53 =	vshll.u32 v3, $0x3  }
0xf2: {  	v3 =	vand.u32 $0x7, v3;
	v4 =	vand.u32 $0xFFFFFFC0, v53  }
0xf3: {  	v3 =	vor.u32 v3, v4  }
0xf4: {  	v3 =	vperm.xlane v3, v0;
	_ =	sdelay $0x1  }
0xf5: {  	v3 =	vadd.s32 v1, v3;
	_ =	sdelay $0x3  }
0xf6: {  	s1 =	simm.s32 $0xA180  }
0xf7: {  	[tilespmem:s1], [sflag:$0x2] =	stream.indirect_vreg.gather [hbm4b:s2+s3], $0x80, v3, vm0, $0xb8;
	[tilespmem:$0x18180] =	vst v63  }
0xf8: {  	s1 =	simm.s32 $0xA980  }
0xf9: {  	[tilespmem:s1], [sflag:$0x2] =	stream.indirect_vreg.gather [hbm4b:s4+s3], $0x80, v3, vm0, $0xb8;
	[tilespmem:$0x18180] =	vst v63  }
0xfa: {  	s1 =	simm.s32 $0xB180  }
0xfb: {  	[tilespmem:s1], [sflag:$0x2] =	stream.indirect_vreg.gather [hbm4b:s5+s3], $0x80, v3, vm0, $0xb8;
	[tilespmem:$0x18180] =	vst v63  }
0xfc: {  	s1 =	simm.s32 $0xB980  }
0xfd: {  	[tilespmem:s1], [sflag:$0x2] =	stream.indirect_vreg.gather [hbm4b:s6+s3], $0x80, v3, vm0, $0xb8;
	[tilespmem:$0x18180] =	vst v63  }
0xfe: {  	_ =	swait.ge [sflag:s28], $0x6000  }
0xff: {  	[sflag:s28] =	ssyncset.done $0x0  }
0x100: {  	s1 =	rddreg [dreg:$0x7];
	[sflag:s28] =	ssyncadd.s32 $0xFFFFA000  }
0x101: {  	[hbm4b:s1+s3] =	stream.linear.scatter [tilespmem:s0], [sflag:$0x7], $0x6000, $0x38;
	[tilespmem:$0x18180] =	vst v63  }
0x102: {  	_ =	swait.ge [sflag:s29], $0x6000  }
0x103: {  	[sflag:s29] =	ssyncset.done $0x0  }
0x104: {  	[sflag:s29] =	ssyncadd.s32 $0xFFFFA000  }
0x105: {  	v3 =	vld [tilespmem:$0x90];
	_ =	sdelay $0x4  }
0x106: {  	v54 =	vshll.u32 v3, $0x3  }
0x107: {  	v3 =	vand.u32 $0x7, v3;
	v4 =	vand.u32 $0xFFFFFFC0, v54  }
0x108: {  	v3 =	vor.u32 v3, v4  }
0x109: {  	v4 =	vperm.xlane v3, v0;
	_ =	sdelay $0x1  }
0x10a: {  	v4 =	vadd.s32 v1, v4;
	_ =	sdelay $0x4  }
0x10b: {  	[tilespmem:s0], [sflag:$0x3] =	stream.indirect_vreg.gather [hbm4b:s2+s3], $0x80, v4, vm0, $0xb8;
	[tilespmem:$0x18180] =	vst v63  }
0x10c: {  	s1 =	simm.s32 $0xC980;
	v3 =	vperm.xlane v3, v2  }
0x10d: {  	[tilespmem:s1], [sflag:$0x3] =	stream.indirect_vreg.gather [hbm4b:s4+s3], $0x80, v4, vm0, $0xb8;
	[tilespmem:$0x18180] =	vst v63  }
0x10e: {  	v3 =	vadd.s32 v1, v3;
	s1 =	simm.s32 $0xD180  }
0x10f: {  	[tilespmem:s1], [sflag:$0x3] =	stream.indirect_vreg.gather [hbm4b:s5+s3], $0x80, v4, vm0, $0xb8;
	[tilespmem:$0x18180] =	vst v63  }
0x110: {  	s1 =	simm.s32 $0xD980  }
0x111: {  	[tilespmem:s1], [sflag:$0x3] =	stream.indirect_vreg.gather [hbm4b:s6+s3], $0x80, v4, vm0, $0xb8;
	[tilespmem:$0x18180] =	vst v63  }
0x112: {  	s1 =	simm.s32 $0xE180  }
0x113: {  	[tilespmem:s1], [sflag:$0x3] =	stream.indirect_vreg.gather [hbm4b:s2+s3], $0x80, v3, vm0, $0xb8;
	[tilespmem:$0x18180] =	vst v63  }
0x114: {  	s1 =	simm.s32 $0xE980  }
0x115: {  	[tilespmem:s1], [sflag:$0x3] =	stream.indirect_vreg.gather [hbm4b:s4+s3], $0x80, v3, vm0, $0xb8;
	[tilespmem:$0x18180] =	vst v63  }
0x116: {  	s1 =	simm.s32 $0xF180  }
0x117: {  	[tilespmem:s1], [sflag:$0x3] =	stream.indirect_vreg.gather [hbm4b:s5+s3], $0x80, v3, vm0, $0xb8;
	[tilespmem:$0x18180] =	vst v63  }
0x118: {  	s1 =	simm.s32 $0xF980  }
0x119: {  	[tilespmem:s1], [sflag:$0x3] =	stream.indirect_vreg.gather [hbm4b:s6+s3], $0x80, v3, vm0, $0xb8;
	[tilespmem:$0x18180] =	vst v63  }
0x11a: {  	v3 =	vld.msk [tilespmem:$0xA0], $0xff;
	_ =	sdelay $0x4  }
0x11b: {  	v55 =	vshll.u32 v3, $0x3  }
0x11c: {  	v3 =	vand.u32 $0x7, v3;
	v4 =	vand.u32 $0xFFFFFFC0, v55  }
0x11d: {  	v3 =	vor.u32 v3, v4  }
0x11e: {  	v3 =	vperm.xlane v3, v0;
	_ =	sdelay $0x1  }
0x11f: {  	v3 =	vadd.s32 v1, v3;
	_ =	sdelay $0x3  }
0x120: {  	s1 =	simm.s32 $0x10180  }
0x121: {  	[tilespmem:s1], [sflag:$0x3] =	stream.indirect_vreg.gather [hbm4b:s2+s3], $0x80, v3, vm0, $0xb8;
	[tilespmem:$0x18180] =	vst v63  }
0x122: {  	s1 =	simm.s32 $0x10980  }
0x123: {  	[tilespmem:s1], [sflag:$0x3] =	stream.indirect_vreg.gather [hbm4b:s4+s3], $0x80, v3, vm0, $0xb8;
	[tilespmem:$0x18180] =	vst v63  }
0x124: {  	s1 =	simm.s32 $0x11180  }
0x125: {  	[tilespmem:s1], [sflag:$0x3] =	stream.indirect_vreg.gather [hbm4b:s5+s3], $0x80, v3, vm0, $0xb8;
	[tilespmem:$0x18180] =	vst v63  }
0x126: {  	s1 =	simm.s32 $0x11980  }
0x127: {  	[tilespmem:s1], [sflag:$0x3] =	stream.indirect_vreg.gather [hbm4b:s6+s3], $0x80, v3, vm0, $0xb8;
	[tilespmem:$0x18180] =	vst v63  }
0x128: {  	_ =	swait.ge [sflag:s19], $0x6000  }
0x129: {  	[sflag:s19] =	ssyncset.done $0x0  }
0x12a: {  	s1 =	rddreg [dreg:$0x8];
	[sflag:s19] =	ssyncadd.s32 $0xFFFFA000  }
0x12b: {  	[hbm4b:s1+s3] =	stream.linear.scatter [tilespmem:s9], [sflag:$0x8], $0x6000, $0x38;
	[tilespmem:$0x18180] =	vst v63  }
0x12c: {  	_ =	swait.ge [sflag:s31], $0x6000  }
0x12d: {  	[sflag:s31] =	ssyncset.done $0x0  }
0x12e: {  	[sflag:s31] =	ssyncadd.s32 $0xFFFFA000  }
0x12f: {  	v3 =	vld [tilespmem:$0xA8];
	_ =	sdelay $0x4  }
0x130: {  	v56 =	vshll.u32 v3, $0x3  }
0x131: {  	v3 =	vand.u32 $0x7, v3;
	v4 =	vand.u32 $0xFFFFFFC0, v56  }
0x132: {  	v3 =	vor.u32 v3, v4  }
0x133: {  	v4 =	vperm.xlane v3, v0;
	_ =	sdelay $0x1  }
0x134: {  	v4 =	vadd.s32 v1, v4;
	_ =	sdelay $0x4  }
0x135: {  	[tilespmem:s9], [sflag:$0x4] =	stream.indirect_vreg.gather [hbm4b:s2+s3], $0x80, v4, vm0, $0xb8;
	[tilespmem:$0x18180] =	vst v63  }
0x136: {  	v3 =	vperm.xlane v3, v2  }
0x137: {  	[tilespmem:s30], [sflag:$0x4] =	stream.indirect_vreg.gather [hbm4b:s4+s3], $0x80, v4, vm0, $0xb8;
	[tilespmem:$0x18180] =	vst v63  }
0x138: {  	v3 =	vadd.s32 v1, v3  }
0x139: {  	[tilespmem:s22], [sflag:$0x4] =	stream.indirect_vreg.gather [hbm4b:s5+s3], $0x80, v4, vm0, $0xb8;
	[tilespmem:$0x18180] =	vst v63  }
0x13a: {  	_ = 	snop  }
0x13b: {  	[tilespmem:s10], [sflag:$0x4] =	stream.indirect_vreg.gather [hbm4b:s6+s3], $0x80, v4, vm0, $0xb8;
	[tilespmem:$0x18180] =	vst v63  }
0x13c: {  	_ = 	snop  }
0x13d: {  	[tilespmem:s11], [sflag:$0x4] =	stream.indirect_vreg.gather [hbm4b:s2+s3], $0x80, v3, vm0, $0xb8;
	[tilespmem:$0x18180] =	vst v63  }
0x13e: {  	_ = 	snop  }
0x13f: {  	[tilespmem:s12], [sflag:$0x4] =	stream.indirect_vreg.gather [hbm4b:s4+s3], $0x80, v3, vm0, $0xb8;
	[tilespmem:$0x18180] =	vst v63  }
0x140: {  	_ = 	snop  }
0x141: {  	[tilespmem:s13], [sflag:$0x4] =	stream.indirect_vreg.gather [hbm4b:s5+s3], $0x80, v3, vm0, $0xb8;
	[tilespmem:$0x18180] =	vst v63  }
0x142: {  	_ = 	snop  }
0x143: {  	[tilespmem:s14], [sflag:$0x4] =	stream.indirect_vreg.gather [hbm4b:s6+s3], $0x80, v3, vm0, $0xb8;
	[tilespmem:$0x18180] =	vst v63  }
0x144: {  	v3 =	vld.msk [tilespmem:$0xB8], $0xff;
	_ =	sdelay $0x4  }
0x145: {  	v57 =	vshll.u32 v3, $0x3  }
0x146: {  	v3 =	vand.u32 $0x7, v3;
	v4 =	vand.u32 $0xFFFFFFC0, v57  }
0x147: {  	v3 =	vor.u32 v3, v4  }
0x148: {  	v3 =	vperm.xlane v3, v0;
	_ =	sdelay $0x1  }
0x149: {  	v3 =	vadd.s32 v1, v3;
	_ =	sdelay $0x4  }
0x14a: {  	[tilespmem:s15], [sflag:$0x4] =	stream.indirect_vreg.gather [hbm4b:s2+s3], $0x80, v3, vm0, $0xb8;
	[tilespmem:$0x18180] =	vst v63  }
0x14b: {  	_ = 	snop  }
0x14c: {  	[tilespmem:s16], [sflag:$0x4] =	stream.indirect_vreg.gather [hbm4b:s4+s3], $0x80, v3, vm0, $0xb8;
	[tilespmem:$0x18180] =	vst v63  }
0x14d: {  	_ = 	snop  }
0x14e: {  	[tilespmem:s17], [sflag:$0x4] =	stream.indirect_vreg.gather [hbm4b:s5+s3], $0x80, v3, vm0, $0xb8;
	[tilespmem:$0x18180] =	vst v63  }
0x14f: {  	_ = 	snop  }
0x150: {  	[tilespmem:s18], [sflag:$0x4] =	stream.indirect_vreg.gather [hbm4b:s6+s3], $0x80, v3, vm0, $0xb8;
	[tilespmem:$0x18180] =	vst v63  }
0x151: {  	_ =	swait.ge [sflag:s23], $0x6000  }
0x152: {  	[sflag:s23] =	ssyncset.done $0x0  }
0x153: {  	s1 =	rddreg [dreg:$0x9];
	[sflag:s23] =	ssyncadd.s32 $0xFFFFA000  }
0x154: {  	[hbm4b:s1+s3] =	stream.linear.scatter [tilespmem:s21], [sflag:$0x5], $0x6000, $0x38;
	[tilespmem:$0x18180] =	vst v63  }
0x155: {  	_ =	swait.ge [sflag:s24], $0x6000  }
0x156: {  	[sflag:s24] =	ssyncset.done $0x0  }
0x157: {  	[sflag:s24] =	ssyncadd.s32 $0xFFFFA000  }
0x158: {  	v3 =	vld [tilespmem:$0xC0];
	_ =	sdelay $0x4  }
0x159: {  	v58 =	vshll.u32 v3, $0x3  }
0x15a: {  	v3 =	vand.u32 $0x7, v3;
	v4 =	vand.u32 $0xFFFFFFC0, v58  }
0x15b: {  	v3 =	vor.u32 v3, v4  }
0x15c: {  	v4 =	vperm.xlane v3, v0;
	_ =	sdelay $0x1  }
0x15d: {  	v4 =	vadd.s32 v1, v4;
	_ =	sdelay $0x4  }
0x15e: {  	[tilespmem:s21], [sflag:$0x1] =	stream.indirect_vreg.gather [hbm4b:s2+s3], $0x80, v4, vm0, $0xb8;
	[tilespmem:$0x18180] =	vst v63  }
0x15f: {  	s1 =	simm.s32 $0x980;
	v3 =	vperm.xlane v3, v2  }
0x160: {  	[tilespmem:s1], [sflag:$0x1] =	stream.indirect_vreg.gather [hbm4b:s4+s3], $0x80, v4, vm0, $0xb8;
	[tilespmem:$0x18180] =	vst v63  }
0x161: {  	v3 =	vadd.s32 v1, v3;
	s1 =	simm.s32 $0x1180  }
0x162: {  	[tilespmem:s1], [sflag:$0x1] =	stream.indirect_vreg.gather [hbm4b:s5+s3], $0x80, v4, vm0, $0xb8;
	[tilespmem:$0x18180] =	vst v63  }
0x163: {  	s1 =	simm.s32 $0x1980  }
0x164: {  	[tilespmem:s1], [sflag:$0x1] =	stream.indirect_vreg.gather [hbm4b:s6+s3], $0x80, v4, vm0, $0xb8;
	[tilespmem:$0x18180] =	vst v63  }
0x165: {  	s1 =	simm.s32 $0x2180  }
0x166: {  	[tilespmem:s1], [sflag:$0x1] =	stream.indirect_vreg.gather [hbm4b:s2+s3], $0x80, v3, vm0, $0xb8;
	[tilespmem:$0x18180] =	vst v63  }
0x167: {  	s1 =	simm.s32 $0x2980  }
0x168: {  	[tilespmem:s1], [sflag:$0x1] =	stream.indirect_vreg.gather [hbm4b:s4+s3], $0x80, v3, vm0, $0xb8;
	[tilespmem:$0x18180] =	vst v63  }
0x169: {  	s1 =	simm.s32 $0x3180  }
0x16a: {  	[tilespmem:s1], [sflag:$0x1] =	stream.indirect_vreg.gather [hbm4b:s5+s3], $0x80, v3, vm0, $0xb8;
	[tilespmem:$0x18180] =	vst v63  }
0x16b: {  	s1 =	simm.s32 $0x3980  }
0x16c: {  	[tilespmem:s1], [sflag:$0x1] =	stream.indirect_vreg.gather [hbm4b:s6+s3], $0x80, v3, vm0, $0xb8;
	[tilespmem:$0x18180] =	vst v63  }
0x16d: {  	v3 =	vld.msk [tilespmem:$0xD0], $0xff;
	_ =	sdelay $0x4  }
0x16e: {  	v59 =	vshll.u32 v3, $0x3  }
0x16f: {  	v3 =	vand.u32 $0x7, v3;
	v4 =	vand.u32 $0xFFFFFFC0, v59  }
0x170: {  	v3 =	vor.u32 v3, v4  }
0x171: {  	v3 =	vperm.xlane v3, v0;
	_ =	sdelay $0x1  }
0x172: {  	v3 =	vadd.s32 v1, v3;
	_ =	sdelay $0x3  }
0x173: {  	s1 =	simm.s32 $0x4180  }
0x174: {  	[tilespmem:s1], [sflag:$0x1] =	stream.indirect_vreg.gather [hbm4b:s2+s3], $0x80, v3, vm0, $0xb8;
	[tilespmem:$0x18180] =	vst v63  }
0x175: {  	s1 =	simm.s32 $0x4980  }
0x176: {  	[tilespmem:s1], [sflag:$0x1] =	stream.indirect_vreg.gather [hbm4b:s4+s3], $0x80, v3, vm0, $0xb8;
	[tilespmem:$0x18180] =	vst v63  }
0x177: {  	s1 =	simm.s32 $0x5180  }
0x178: {  	[tilespmem:s1], [sflag:$0x1] =	stream.indirect_vreg.gather [hbm4b:s5+s3], $0x80, v3, vm0, $0xb8;
	[tilespmem:$0x18180] =	vst v63  }
0x179: {  	s20 =	simm.s32 $0x5980  }
0x17a: {  	[tilespmem:s20], [sflag:$0x1] =	stream.indirect_vreg.gather [hbm4b:s6+s3], $0x80, v3, vm0, $0xb8;
	[tilespmem:$0x18180] =	vst v63  }
0x17b: {  	_ =	swait.ge [sflag:s25], $0x6000  }
0x17c: {  	[sflag:s25] =	ssyncset.done $0x0  }
0x17d: {  	s20 =	rddreg [dreg:$0xa];
	[sflag:s25] =	ssyncadd.s32 $0xFFFFA000  }
0x17e: {  	[hbm4b:s20+s3] =	stream.linear.scatter [tilespmem:s8], [sflag:$0x6], $0x6000, $0x38;
	[tilespmem:$0x18180] =	vst v63  }
0x17f: {  	_ =	swait.ge [sflag:s26], $0x6000  }
0x180: {  	[sflag:s26] =	ssyncset.done $0x0  }
0x181: {  	[sflag:s26] =	ssyncadd.s32 $0xFFFFA000  }
0x182: {  	v3 =	vld [tilespmem:$0xD8];
	_ =	sdelay $0x4  }
0x183: {  	v60 =	vshll.u32 v3, $0x3  }
0x184: {  	v3 =	vand.u32 $0x7, v3;
	v4 =	vand.u32 $0xFFFFFFC0, v60  }
0x185: {  	v3 =	vor.u32 v3, v4  }
0x186: {  	v4 =	vperm.xlane v3, v0;
	_ =	sdelay $0x1  }
0x187: {  	v4 =	vadd.s32 v1, v4;
	_ =	sdelay $0x4  }
0x188: {  	[tilespmem:s8], [sflag:$0x2] =	stream.indirect_vreg.gather [hbm4b:s2+s3], $0x80, v4, vm0, $0xb8;
	[tilespmem:$0x18180] =	vst v63  }
0x189: {  	s20 =	simm.s32 $0x6980;
	v3 =	vperm.xlane v3, v2  }
0x18a: {  	[tilespmem:s20], [sflag:$0x2] =	stream.indirect_vreg.gather [hbm4b:s4+s3], $0x80, v4, vm0, $0xb8;
	[tilespmem:$0x18180] =	vst v63  }
0x18b: {  	v3 =	vadd.s32 v1, v3;
	s20 =	simm.s32 $0x7180  }
0x18c: {  	[tilespmem:s20], [sflag:$0x2] =	stream.indirect_vreg.gather [hbm4b:s5+s3], $0x80, v4, vm0, $0xb8;
	[tilespmem:$0x18180] =	vst v63  }
0x18d: {  	s20 =	simm.s32 $0x7980  }
0x18e: {  	[tilespmem:s20], [sflag:$0x2] =	stream.indirect_vreg.gather [hbm4b:s6+s3], $0x80, v4, vm0, $0xb8;
	[tilespmem:$0x18180] =	vst v63  }
0x18f: {  	s20 =	simm.s32 $0x8180  }
0x190: {  	[tilespmem:s20], [sflag:$0x2] =	stream.indirect_vreg.gather [hbm4b:s2+s3], $0x80, v3, vm0, $0xb8;
	[tilespmem:$0x18180] =	vst v63  }
0x191: {  	s20 =	simm.s32 $0x8980  }
0x192: {  	[tilespmem:s20], [sflag:$0x2] =	stream.indirect_vreg.gather [hbm4b:s4+s3], $0x80, v3, vm0, $0xb8;
	[tilespmem:$0x18180] =	vst v63  }
0x193: {  	s20 =	simm.s32 $0x9180  }
0x194: {  	[tilespmem:s20], [sflag:$0x2] =	stream.indirect_vreg.gather [hbm4b:s5+s3], $0x80, v3, vm0, $0xb8;
	[tilespmem:$0x18180] =	vst v63  }
0x195: {  	s20 =	simm.s32 $0x9980  }
0x196: {  	[tilespmem:s20], [sflag:$0x2] =	stream.indirect_vreg.gather [hbm4b:s6+s3], $0x80, v3, vm0, $0xb8;
	[tilespmem:$0x18180] =	vst v63  }
0x197: {  	v3 =	vld.msk [tilespmem:$0xE8], $0xff;
	_ =	sdelay $0x4  }
0x198: {  	v61 =	vshll.u32 v3, $0x3  }
0x199: {  	v3 =	vand.u32 $0x7, v3;
	v4 =	vand.u32 $0xFFFFFFC0, v61  }
0x19a: {  	v3 =	vor.u32 v3, v4  }
0x19b: {  	v3 =	vperm.xlane v3, v0;
	_ =	sdelay $0x1  }
0x19c: {  	v3 =	vadd.s32 v1, v3;
	_ =	sdelay $0x3  }
0x19d: {  	s20 =	simm.s32 $0xA180  }
0x19e: {  	[tilespmem:s20], [sflag:$0x2] =	stream.indirect_vreg.gather [hbm4b:s2+s3], $0x80, v3, vm0, $0xb8;
	[tilespmem:$0x18180] =	vst v63  }
0x19f: {  	s20 =	simm.s32 $0xA980  }
0x1a0: {  	[tilespmem:s20], [sflag:$0x2] =	stream.indirect_vreg.gather [hbm4b:s4+s3], $0x80, v3, vm0, $0xb8;
	[tilespmem:$0x18180] =	vst v63  }
0x1a1: {  	s20 =	simm.s32 $0xB180  }
0x1a2: {  	[tilespmem:s20], [sflag:$0x2] =	stream.indirect_vreg.gather [hbm4b:s5+s3], $0x80, v3, vm0, $0xb8;
	[tilespmem:$0x18180] =	vst v63  }
0x1a3: {  	s20 =	simm.s32 $0xB980  }
0x1a4: {  	[tilespmem:s20], [sflag:$0x2] =	stream.indirect_vreg.gather [hbm4b:s6+s3], $0x80, v3, vm0, $0xb8;
	[tilespmem:$0x18180] =	vst v63  }
0x1a5: {  	_ =	swait.ge [sflag:s28], $0x6000  }
0x1a6: {  	[sflag:s28] =	ssyncset.done $0x0  }
0x1a7: {  	s20 =	rddreg [dreg:$0xb];
	[sflag:s28] =	ssyncadd.s32 $0xFFFFA000  }
0x1a8: {  	[hbm4b:s20+s3] =	stream.linear.scatter [tilespmem:s0], [sflag:$0x7], $0x6000, $0x38;
	[tilespmem:$0x18180] =	vst v63  }
0x1a9: {  	_ =	swait.ge [sflag:s29], $0x6000  }
0x1aa: {  	[sflag:s29] =	ssyncset.done $0x0  }
0x1ab: {  	[sflag:s29] =	ssyncadd.s32 $0xFFFFA000  }
0x1ac: {  	v3 =	vld [tilespmem:$0xF0];
	_ =	sdelay $0x4  }
0x1ad: {  	v62 =	vshll.u32 v3, $0x3  }
0x1ae: {  	v3 =	vand.u32 $0x7, v3;
	v4 =	vand.u32 $0xFFFFFFC0, v62  }
0x1af: {  	v3 =	vor.u32 v3, v4  }
0x1b0: {  	v4 =	vperm.xlane v3, v0;
	_ =	sdelay $0x1  }
0x1b1: {  	v4 =	vadd.s32 v1, v4;
	_ =	sdelay $0x4  }
0x1b2: {  	[tilespmem:s0], [sflag:$0x3] =	stream.indirect_vreg.gather [hbm4b:s2+s3], $0x80, v4, vm0, $0xb8;
	[tilespmem:$0x18180] =	vst v63  }
0x1b3: {  	s20 =	simm.s32 $0xC980;
	v3 =	vperm.xlane v3, v2  }
0x1b4: {  	[tilespmem:s20], [sflag:$0x3] =	stream.indirect_vreg.gather [hbm4b:s4+s3], $0x80, v4, vm0, $0xb8;
	[tilespmem:$0x18180] =	vst v63  }
0x1b5: {  	v3 =	vadd.s32 v1, v3;
	s20 =	simm.s32 $0xD180  }
0x1b6: {  	[tilespmem:s20], [sflag:$0x3] =	stream.indirect_vreg.gather [hbm4b:s5+s3], $0x80, v4, vm0, $0xb8;
	[tilespmem:$0x18180] =	vst v63  }
0x1b7: {  	s20 =	simm.s32 $0xD980  }
0x1b8: {  	[tilespmem:s20], [sflag:$0x3] =	stream.indirect_vreg.gather [hbm4b:s6+s3], $0x80, v4, vm0, $0xb8;
	[tilespmem:$0x18180] =	vst v63  }
0x1b9: {  	s20 =	simm.s32 $0xE180  }
0x1ba: {  	[tilespmem:s20], [sflag:$0x3] =	stream.indirect_vreg.gather [hbm4b:s2+s3], $0x80, v3, vm0, $0xb8;
	[tilespmem:$0x18180] =	vst v63  }
0x1bb: {  	s20 =	simm.s32 $0xE980  }
0x1bc: {  	[tilespmem:s20], [sflag:$0x3] =	stream.indirect_vreg.gather [hbm4b:s4+s3], $0x80, v3, vm0, $0xb8;
	[tilespmem:$0x18180] =	vst v63  }
0x1bd: {  	s20 =	simm.s32 $0xF180  }
0x1be: {  	[tilespmem:s20], [sflag:$0x3] =	stream.indirect_vreg.gather [hbm4b:s5+s3], $0x80, v3, vm0, $0xb8;
	[tilespmem:$0x18180] =	vst v63  }
0x1bf: {  	s20 =	simm.s32 $0xF980  }
0x1c0: {  	[tilespmem:s20], [sflag:$0x3] =	stream.indirect_vreg.gather [hbm4b:s6+s3], $0x80, v3, vm0, $0xb8;
	[tilespmem:$0x18180] =	vst v63  }
0x1c1: {  	v3 =	vld.msk [tilespmem:$0x100], $0xff;
	_ =	sdelay $0x4  }
0x1c2: {  	v63 =	vshll.u32 v3, $0x3  }
0x1c3: {  	v3 =	vand.u32 $0x7, v3;
	v4 =	vand.u32 $0xFFFFFFC0, v63  }
0x1c4: {  	v3 =	vor.u32 v3, v4  }
0x1c5: {  	v3 =	vperm.xlane v3, v0;
	_ =	sdelay $0x1  }
0x1c6: {  	v3 =	vadd.s32 v1, v3;
	_ =	sdelay $0x3  }
0x1c7: {  	s20 =	simm.s32 $0x10180  }
0x1c8: {  	[tilespmem:s20], [sflag:$0x3] =	stream.indirect_vreg.gather [hbm4b:s2+s3], $0x80, v3, vm0, $0xb8;
	[tilespmem:$0x18180] =	vst v63  }
0x1c9: {  	s20 =	simm.s32 $0x10980  }
0x1ca: {  	[tilespmem:s20], [sflag:$0x3] =	stream.indirect_vreg.gather [hbm4b:s4+s3], $0x80, v3, vm0, $0xb8;
	[tilespmem:$0x18180] =	vst v63  }
0x1cb: {  	s20 =	simm.s32 $0x11180  }
0x1cc: {  	[tilespmem:s20], [sflag:$0x3] =	stream.indirect_vreg.gather [hbm4b:s5+s3], $0x80, v3, vm0, $0xb8;
	[tilespmem:$0x18180] =	vst v63  }
0x1cd: {  	s20 =	simm.s32 $0x11980  }
0x1ce: {  	[tilespmem:s20], [sflag:$0x3] =	stream.indirect_vreg.gather [hbm4b:s6+s3], $0x80, v3, vm0, $0xb8;
	[tilespmem:$0x18180] =	vst v63  }
0x1cf: {  	_ =	swait.ge [sflag:s19], $0x6000  }
0x1d0: {  	[sflag:s19] =	ssyncset.done $0x0  }
0x1d1: {  	s20 =	rddreg [dreg:$0xc];
	[sflag:s19] =	ssyncadd.s32 $0xFFFFA000  }
0x1d2: {  	[hbm4b:s20+s3] =	stream.linear.scatter [tilespmem:s9], [sflag:$0x8], $0x6000, $0x38;
	[tilespmem:$0x18180] =	vst v63  }
0x1d3: {  	_ =	swait.ge [sflag:s23], $0x6000  }
0x1d4: {  	[sflag:s23] =	ssyncset.done $0x0  }
0x1d5: {  	s20 =	rddreg [dreg:$0xd];
	[sflag:s23] =	ssyncadd.s32 $0xFFFFA000  }
0x1d6: {  	[hbm4b:s20+s3] =	stream.linear.scatter [tilespmem:s21], [sflag:$0x5], $0x6000, $0x38;
	[tilespmem:$0x18180] =	vst v63  }
0x1d7: {  	_ =	swait.ge [sflag:s25], $0x6000  }
0x1d8: {  	[sflag:s25] =	ssyncset.done $0x0  }
0x1d9: {  	s20 =	rddreg [dreg:$0xe];
	[sflag:s25] =	ssyncadd.s32 $0xFFFFA000  }
0x1da: {  	[hbm4b:s20+s3] =	stream.linear.scatter [tilespmem:s8], [sflag:$0x6], $0x6000, $0x38;
	[tilespmem:$0x18180] =	vst v63  }
0x1db: {  	_ =	swait.ge [sflag:s28], $0x6000  }
0x1dc: {  	[sflag:s28] =	ssyncset.done $0x0  }
0x1dd: {  	s20 =	rddreg [dreg:$0xf];
	[sflag:s28] =	ssyncadd.s32 $0xFFFFA000  }
0x1de: {  	[hbm4b:s20+s3] =	stream.linear.scatter [tilespmem:s0], [sflag:$0x7], $0x6000, $0x38;
	[tilespmem:$0x18180] =	vst v63  }
0x1df: {  	_ =	swait.ge [sflag:s24], $0x6000  }
0x1e0: {  	[sflag:s24] =	ssyncset.done $0x0  }
0x1e1: {  	[sflag:s24] =	ssyncadd.s32 $0xFFFFA000  }
0x1e2: {  	_ =	swait.ge [sflag:s26], $0x6000  }
0x1e3: {  	[sflag:s26] =	ssyncset.done $0x0  }
0x1e4: {  	[sflag:s26] =	ssyncadd.s32 $0xFFFFA000  }
0x1e5: {  	p0 =	sne.s32 s7, $0x1;
	_ =	swait.ge [sflag:s29], $0x6000  }
.Ltmp0:
0x1e6: {  	[sflag:s29] =	ssyncset.done $0x0;
	(pc) =	sbr.rel @p0 .LBB2_1-.Ltmp0, $4  }
0x1e7: {  	[sflag:s29] =	ssyncadd.s32 $0xFFFFA000  }
0x1e8: {  	_ =	swait.ge [sflag:s31], $0x6000  }
0x1e9: {  	[sflag:s31] =	ssyncset.done $0x0  }
0x1ea: {  	s7 =	sadd.s32 $0xFFFFFFFF, s7;
	[sflag:s31] =	ssyncadd.s32 $0xFFFFA000  }
0x1eb: {  	_ =	sfence.sel $0x180000  }
0x1ec: {  	[bflag:$0x0] =	sbarrier.arrive $0xFFFF  }
0x1ed: {  	_ =	strace $0x90000047  }
0x1ee: {  	s0 =	stileid.u32;
	[bflag:$0x2] =	sbarrier.arrive $0xFFFF  }
0x1ef: {  	p0 =	sne.s32 s0, $0x0;
	s0 =	rddreg [dreg:$0x3]  }
0x1f0: {  	s0 =	sadd.s32 @!p0 $0x100000, s0  }
0x1f1: {  	[sflag:s0] =	ssyncadd.tile.s32 @!p0 $0x1;
	_ =	shalt  }
.Lfunc_end2:
_tile_overlayer_lowered:
.L_overlay_start_2:
0x1f2: {  	(tag) =	ssettag $0x2  }
0x1f3: {  	s0 =	rddreg [dreg:$0x0];
	s2 =	stileid.u32  }
0x1f4: {  	s1 =	rddreg [dreg:$0x1];
	p0 =	sne.s32 s2, $0x0  }
0x1f5: {  	s3 =	rddreg [dreg:$0x2];
	[bflag:$0x3] =	sbarrier.arrive $0xFFFF;
	s2 =	simm.s32 @!p0 $0x1C09  }
0x1f6: {  	[timem:s3], [sflag:s2] =	dma.local @!p0 [hbm:s0], s1  }
0x1f7: {  	s0 =	simm.s32 @!p0 $0x9  }
0x1f8: {  	_ =	swait.ge @!p0 [sflag:s0], s1  }
0x1f9: {  	s1 =	ssub.s32 @!p0 $0x0, s1;
	[sflag:s0] =	ssyncset.done @!p0 $0x0  }
0x1fa: {  	[sflag:s0] =	ssyncadd.s32 @!p0 s1  }
0x1fb: {  	[bflag:$0x3] =	sbarrier.arrive $0xFFFF  }
0x1fc: {  	_ =	shalt  }

</sc_bundles>
